<compile_context>
chip_gen: v7x
topology: tpu7x:2x2x1
jax: 0.10.2.dev20260603
libtpu: 0.0.44.dev20260713+nightly
codegen_flags: <defaults>
</compile_context>

<pallas_src>
import functools

import jax
import jax.numpy as jnp
from jax import lax
from jax.experimental import pallas as pl
from jax.experimental.pallas import tpu as pltpu
from jax.experimental.pallas import tpu_sc as plsc

NUM_WORKERS = 32
K = 8


@functools.partial(jax.jit, static_argnames=("batch", "seq", "dim"))
def _sc_gather(ids, table, *, batch, seq, dim):
    rows_per_w = batch // NUM_WORKERS
    n_groups = rows_per_w // K

    mesh = plsc.VectorSubcoreMesh(core_axis_name="c", subcore_axis_name="s")

    @functools.partial(
        pl.kernel,
        out_type=jax.ShapeDtypeStruct((batch * seq, 2, dim), jnp.float32),
        mesh=mesh,
        scratch_types=[
            pltpu.VMEM((K, seq), jnp.int32),
            pltpu.VMEM((K, seq, dim), jnp.float32),
            pltpu.SemaphoreType.DMA((K,)),
            pltpu.SemaphoreType.DMA((K,)),
            pltpu.SemaphoreType.DMA((K,)),
        ],
        compiler_params=pltpu.CompilerParams(use_tc_tiling_on_sc=False),
    )
    def k(ids_hbm, table_hbm, out_hbm, idx_v, rows_v, isem, gsem, ssem):
        wid = lax.axis_index("s") * 2 + lax.axis_index("c")
        b0 = wid * rows_per_w

        def body(g, carry):
            r0 = b0 + g * K
            for b in range(K):
                pltpu.async_copy(ids_hbm.at[r0 + b], idx_v.at[b], isem.at[b])
            for b in range(K):
                pltpu.make_async_copy(
                    ids_hbm.at[r0 + b], idx_v.at[b], isem.at[b]
                ).wait()
                pltpu.async_copy(
                    table_hbm.at[idx_v.at[b]], rows_v.at[b], gsem.at[b]
                )
            for b in range(K):
                pltpu.make_async_copy(
                    table_hbm.at[idx_v.at[b]], rows_v.at[b], gsem.at[b]
                ).wait()
                pltpu.async_copy(
                    rows_v.at[b],
                    out_hbm.at[pl.ds((r0 + b) * seq, seq), 0, :],
                    ssem.at[b],
                )
            for b in range(K):
                pltpu.make_async_copy(
                    rows_v.at[b],
                    out_hbm.at[pl.ds((r0 + b) * seq, seq), 0, :],
                    ssem.at[b],
                ).wait()
            return carry

        lax.fori_loop(0, n_groups, body, 0)

    return k(ids, table)


def kernel(input_ids, token_embed):
    batch, seq = input_ids.shape
    dim = token_embed.shape[1]
    out2 = _sc_gather(input_ids, token_embed, batch=batch, seq=seq, dim=dim)
    return out2.reshape(batch, seq, 2 * dim)[..., :dim]

# --- scband reference (transcript-rebuilt; emitter-appended) ---
"""Pipeline reference for scband-standard-embedding-27066883899736 (READ-ONLY COPY).

The authoritative reference and input builder live on the scoring server;
editing this copy changes nothing except your own understanding.
"""

import jax, jax.numpy as jnp
import numpy as np

VOCAB = 1000000
DIM = 64
BATCH = 4096
SEQ = 200

def setup_inputs(seed: int = 0) -> dict:
    key = jax.random.key(seed)
    k1, k2 = jax.random.split(key)
    input_ids = jax.random.randint(k1, (BATCH, SEQ), 0, VOCAB, dtype=jnp.int32)
    # Learned parameter: embedding table from nn.Embed(vocab_size, hidden_dim)
    token_embed = jax.random.normal(k2, (VOCAB, DIM), dtype=jnp.float32) * 0.02
    return {"input_ids": input_ids, "token_embed": token_embed}

def reference(input_ids, token_embed):
    # StandardEmbedding.__call__ with deterministic=True (dropout is identity).
    # nn.Embed lookup == row gather from the table.
    x = jnp.take(token_embed, input_ids, axis=0)  # [batch, seq, hidden_dim]
    return x

if __name__ == "__main__":
    import jax
    _d = setup_inputs()
    print(jax.jit(kernel)(*tuple(_d.values())))

</pallas_src>

<mosaic_0001>
#map = affine_map<(d0, d1) -> (0, 0)>
#map1 = affine_map<(d0, d1) -> (0, 0, 0)>
module attributes {stable_mosaic.version = 14 : i64} {
  func.func @k(%arg0: i32, %arg1: i32, %arg2: memref<4096x200xi32, #tpu.memory_space<hbm>>, %arg3: memref<1000000x64xf32, #tpu.memory_space<hbm>>, %arg4: memref<819200x2x64xf32, #tpu.memory_space<hbm>>, %arg5: memref<8x200xi32, #tpu.memory_space<vmem>>, %arg6: memref<8x200x64xf32, #tpu.memory_space<vmem>>, %arg7: memref<8x!tpu.dma_semaphore, #tpu.memory_space<semaphore_mem>>, %arg8: memref<8x!tpu.dma_semaphore, #tpu.memory_space<semaphore_mem>>, %arg9: memref<8x!tpu.dma_semaphore, #tpu.memory_space<semaphore_mem>>) attributes {dimension_semantics = [#tpu.dimension_semantics<core_parallel>, #tpu.dimension_semantics<subcore_parallel>], iteration_bounds = array<i64: 2, 16>, scalar_prefetch = 0 : i64, scratch_operands = 5 : i64, tpu.core_type = #tpu.core_type<sc_vector_subcore>, window_params = [{transform_indices = #map}, {transform_indices = #map}, {transform_indices = #map1}]} {
    %mul3A = arith.constant 2 : i32
    %mul3A_0 = arith.muli %arg1, %mul3A : i32
    %add3A = arith.addi %mul3A_0, %arg0 : i32
    %mul3A_1 = arith.constant 128 : i32
    %mul3A_2 = arith.muli %add3A, %mul3A_1 : i32
    %scan3A = arith.constant 0 : i32
    %scan3A_3 = arith.constant 0 : i32
    %scan3A_4 = arith.constant 16 : i32
    %scan3A_5 = arith.addi %scan3A_3, %scan3A_4 : i32
    %scan3A_6 = arith.constant 1 : i32
    scf.for %scan3A_8 = %scan3A_3 to %scan3A_5 step %scan3A_6  : i32 {
      %mul3A_9 = arith.constant 8 : i32
      %mul3A_10 = arith.muli %scan3A_8, %mul3A_9 : i32
      %add3A_11 = arith.addi %mul3A_2, %mul3A_10 : i32
      %add3A_12 = arith.constant 0 : i32
      %add3A_13 = arith.addi %add3A_11, %add3A_12 : i32
      %dma_start3A = arith.constant 0 : i32
      %dma_start3A_14 = arith.constant 0 : i32
      %dma_start3A_15 = arith.constant 0 : i32
      %dma_start3A_16 = tpu.memref_slice %arg5[%dma_start3A, %dma_start3A_15] : memref<8x200xi32, #tpu.memory_space<vmem>> -> memref<1x200xi32, #tpu.memory_space<vmem>>
      %dma_start3A_17 = tpu.memref_squeeze %dma_start3A_16 : memref<1x200xi32, #tpu.memory_space<vmem>> -> memref<200xi32, #tpu.memory_space<vmem>>
      %dma_start3A_18 = arith.constant 0 : i32
      %dma_start3A_19 = tpu.memref_slice %arg2[%add3A_13, %dma_start3A_18] : memref<4096x200xi32, #tpu.memory_space<hbm>> -> memref<1x200xi32, #tpu.memory_space<hbm>>
      %dma_start3A_20 = tpu.memref_squeeze %dma_start3A_19 : memref<1x200xi32, #tpu.memory_space<hbm>> -> memref<200xi32, #tpu.memory_space<hbm>>
      %dma_start3A_21 = tpu.memref_slice %arg7[%dma_start3A_14] : memref<8x!tpu.dma_semaphore, #tpu.memory_space<semaphore_mem>> -> memref<1x!tpu.dma_semaphore, #tpu.memory_space<semaphore_mem>>
      %dma_start3A_22 = tpu.memref_squeeze %dma_start3A_21 : memref<1x!tpu.dma_semaphore, #tpu.memory_space<semaphore_mem>> -> memref<!tpu.dma_semaphore, #tpu.memory_space<semaphore_mem>>
      %dma_start3A_23 = arith.constant 0 : i32
      %dma_start3A_24 = tpu.memref_slice %arg5[%dma_start3A, %dma_start3A_23] : memref<8x200xi32, #tpu.memory_space<vmem>> -> memref<1x200xi32, #tpu.memory_space<vmem>>
      %dma_start3A_25 = tpu.memref_squeeze %dma_start3A_24 : memref<1x200xi32, #tpu.memory_space<vmem>> -> memref<200xi32, #tpu.memory_space<vmem>>
      %dma_start3A_26 = arith.constant 0 : i32
      %dma_start3A_27 = tpu.memref_slice %arg2[%add3A_13, %dma_start3A_26] : memref<4096x200xi32, #tpu.memory_space<hbm>> -> memref<1x200xi32, #tpu.memory_space<hbm>>
      %dma_start3A_28 = tpu.memref_squeeze %dma_start3A_27 : memref<1x200xi32, #tpu.memory_space<hbm>> -> memref<200xi32, #tpu.memory_space<hbm>>
      tpu.enqueue_dma source(%dma_start3A_28 : memref<200xi32, #tpu.memory_space<hbm>>) target(%dma_start3A_25 : memref<200xi32, #tpu.memory_space<vmem>>) target_semaphore(%dma_start3A_22 : memref<!tpu.dma_semaphore, #tpu.memory_space<semaphore_mem>>)
      %add3A_29 = arith.constant 1 : i32
      %add3A_30 = arith.addi %add3A_11, %add3A_29 : i32
      %dma_start3A_31 = arith.constant 1 : i32
      %dma_start3A_32 = arith.constant 1 : i32
      %dma_start3A_33 = arith.constant 0 : i32
      %dma_start3A_34 = tpu.memref_slice %arg5[%dma_start3A_31, %dma_start3A_33] : memref<8x200xi32, #tpu.memory_space<vmem>> -> memref<1x200xi32, #tpu.memory_space<vmem>>
      %dma_start3A_35 = tpu.memref_squeeze %dma_start3A_34 : memref<1x200xi32, #tpu.memory_space<vmem>> -> memref<200xi32, #tpu.memory_space<vmem>>
      %dma_start3A_36 = arith.constant 0 : i32
      %dma_start3A_37 = tpu.memref_slice %arg2[%add3A_30, %dma_start3A_36] : memref<4096x200xi32, #tpu.memory_space<hbm>> -> memref<1x200xi32, #tpu.memory_space<hbm>>
      %dma_start3A_38 = tpu.memref_squeeze %dma_start3A_37 : memref<1x200xi32, #tpu.memory_space<hbm>> -> memref<200xi32, #tpu.memory_space<hbm>>
      %dma_start3A_39 = tpu.memref_slice %arg7[%dma_start3A_32] : memref<8x!tpu.dma_semaphore, #tpu.memory_space<semaphore_mem>> -> memref<1x!tpu.dma_semaphore, #tpu.memory_space<semaphore_mem>>
      %dma_start3A_40 = tpu.memref_squeeze %dma_start3A_39 : memref<1x!tpu.dma_semaphore, #tpu.memory_space<semaphore_mem>> -> memref<!tpu.dma_semaphore, #tpu.memory_space<semaphore_mem>>
      %dma_start3A_41 = arith.constant 0 : i32
      %dma_start3A_42 = tpu.memref_slice %arg5[%dma_start3A_31, %dma_start3A_41] : memref<8x200xi32, #tpu.memory_space<vmem>> -> memref<1x200xi32, #tpu.memory_space<vmem>>
      %dma_start3A_43 = tpu.memref_squeeze %dma_start3A_42 : memref<1x200xi32, #tpu.memory_space<vmem>> -> memref<200xi32, #tpu.memory_space<vmem>>
      %dma_start3A_44 = arith.constant 0 : i32
      %dma_start3A_45 = tpu.memref_slice %arg2[%add3A_30, %dma_start3A_44] : memref<4096x200xi32, #tpu.memory_space<hbm>> -> memref<1x200xi32, #tpu.memory_space<hbm>>
      %dma_start3A_46 = tpu.memref_squeeze %dma_start3A_45 : memref<1x200xi32, #tpu.memory_space<hbm>> -> memref<200xi32, #tpu.memory_space<hbm>>
      tpu.enqueue_dma source(%dma_start3A_46 : memref<200xi32, #tpu.memory_space<hbm>>) target(%dma_start3A_43 : memref<200xi32, #tpu.memory_space<vmem>>) target_semaphore(%dma_start3A_40 : memref<!tpu.dma_semaphore, #tpu.memory_space<semaphore_mem>>)
      %add3A_47 = arith.constant 2 : i32
      %add3A_48 = arith.addi %add3A_11, %add3A_47 : i32
      %dma_start3A_49 = arith.constant 2 : i32
      %dma_start3A_50 = arith.constant 2 : i32
      %dma_start3A_51 = arith.constant 0 : i32
      %dma_start3A_52 = tpu.memref_slice %arg5[%dma_start3A_49, %dma_start3A_51] : memref<8x200xi32, #tpu.memory_space<vmem>> -> memref<1x200xi32, #tpu.memory_space<vmem>>
      %dma_start3A_53 = tpu.memref_squeeze %dma_start3A_52 : memref<1x200xi32, #tpu.memory_space<vmem>> -> memref<200xi32, #tpu.memory_space<vmem>>
      %dma_start3A_54 = arith.constant 0 : i32
      %dma_start3A_55 = tpu.memref_slice %arg2[%add3A_48, %dma_start3A_54] : memref<4096x200xi32, #tpu.memory_space<hbm>> -> memref<1x200xi32, #tpu.memory_space<hbm>>
      %dma_start3A_56 = tpu.memref_squeeze %dma_start3A_55 : memref<1x200xi32, #tpu.memory_space<hbm>> -> memref<200xi32, #tpu.memory_space<hbm>>
      %dma_start3A_57 = tpu.memref_slice %arg7[%dma_start3A_50] : memref<8x!tpu.dma_semaphore, #tpu.memory_space<semaphore_mem>> -> memref<1x!tpu.dma_semaphore, #tpu.memory_space<semaphore_mem>>
      %dma_start3A_58 = tpu.memref_squeeze %dma_start3A_57 : memref<1x!tpu.dma_semaphore, #tpu.memory_space<semaphore_mem>> -> memref<!tpu.dma_semaphore, #tpu.memory_space<semaphore_mem>>
      %dma_start3A_59 = arith.constant 0 : i32
      %dma_start3A_60 = tpu.memref_slice %arg5[%dma_start3A_49, %dma_start3A_59] : memref<8x200xi32, #tpu.memory_space<vmem>> -> memref<1x200xi32, #tpu.memory_space<vmem>>
      %dma_start3A_61 = tpu.memref_squeeze %dma_start3A_60 : memref<1x200xi32, #tpu.memory_space<vmem>> -> memref<200xi32, #tpu.memory_space<vmem>>
      %dma_start3A_62 = arith.constant 0 : i32
      %dma_start3A_63 = tpu.memref_slice %arg2[%add3A_48, %dma_start3A_62] : memref<4096x200xi32, #tpu.memory_space<hbm>> -> memref<1x200xi32, #tpu.memory_space<hbm>>
      %dma_start3A_64 = tpu.memref_squeeze %dma_start3A_63 : memref<1x200xi32, #tpu.memory_space<hbm>> -> memref<200xi32, #tpu.memory_space<hbm>>
      tpu.enqueue_dma source(%dma_start3A_64 : memref<200xi32, #tpu.memory_space<hbm>>) target(%dma_start3A_61 : memref<200xi32, #tpu.memory_space<vmem>>) target_semaphore(%dma_start3A_58 : memref<!tpu.dma_semaphore, #tpu.memory_space<semaphore_mem>>)
      %add3A_65 = arith.constant 3 : i32
      %add3A_66 = arith.addi %add3A_11, %add3A_65 : i32
      %dma_start3A_67 = arith.constant 3 : i32
      %dma_start3A_68 = arith.constant 3 : i32
      %dma_start3A_69 = arith.constant 0 : i32
      %dma_start3A_70 = tpu.memref_slice %arg5[%dma_start3A_67, %dma_start3A_69] : memref<8x200xi32, #tpu.memory_space<vmem>> -> memref<1x200xi32, #tpu.memory_space<vmem>>
      %dma_start3A_71 = tpu.memref_squeeze %dma_start3A_70 : memref<1x200xi32, #tpu.memory_space<vmem>> -> memref<200xi32, #tpu.memory_space<vmem>>
      %dma_start3A_72 = arith.constant 0 : i32
      %dma_start3A_73 = tpu.memref_slice %arg2[%add3A_66, %dma_start3A_72] : memref<4096x200xi32, #tpu.memory_space<hbm>> -> memref<1x200xi32, #tpu.memory_space<hbm>>
      %dma_start3A_74 = tpu.memref_squeeze %dma_start3A_73 : memref<1x200xi32, #tpu.memory_space<hbm>> -> memref<200xi32, #tpu.memory_space<hbm>>
      %dma_start3A_75 = tpu.memref_slice %arg7[%dma_start3A_68] : memref<8x!tpu.dma_semaphore, #tpu.memory_space<semaphore_mem>> -> memref<1x!tpu.dma_semaphore, #tpu.memory_space<semaphore_mem>>
      %dma_start3A_76 = tpu.memref_squeeze %dma_start3A_75 : memref<1x!tpu.dma_semaphore, #tpu.memory_space<semaphore_mem>> -> memref<!tpu.dma_semaphore, #tpu.memory_space<semaphore_mem>>
      %dma_start3A_77 = arith.constant 0 : i32
      %dma_start3A_78 = tpu.memref_slice %arg5[%dma_start3A_67, %dma_start3A_77] : memref<8x200xi32, #tpu.memory_space<vmem>> -> memref<1x200xi32, #tpu.memory_space<vmem>>
      %dma_start3A_79 = tpu.memref_squeeze %dma_start3A_78 : memref<1x200xi32, #tpu.memory_space<vmem>> -> memref<200xi32, #tpu.memory_space<vmem>>
      %dma_start3A_80 = arith.constant 0 : i32
      %dma_start3A_81 = tpu.memref_slice %arg2[%add3A_66, %dma_start3A_80] : memref<4096x200xi32, #tpu.memory_space<hbm>> -> memref<1x200xi32, #tpu.memory_space<hbm>>
      %dma_start3A_82 = tpu.memref_squeeze %dma_start3A_81 : memref<1x200xi32, #tpu.memory_space<hbm>> -> memref<200xi32, #tpu.memory_space<hbm>>
      tpu.enqueue_dma source(%dma_start3A_82 : memref<200xi32, #tpu.memory_space<hbm>>) target(%dma_start3A_79 : memref<200xi32, #tpu.memory_space<vmem>>) target_semaphore(%dma_start3A_76 : memref<!tpu.dma_semaphore, #tpu.memory_space<semaphore_mem>>)
      %add3A_83 = arith.constant 4 : i32
      %add3A_84 = arith.addi %add3A_11, %add3A_83 : i32
      %dma_start3A_85 = arith.constant 4 : i32
      %dma_start3A_86 = arith.constant 4 : i32
      %dma_start3A_87 = arith.constant 0 : i32
      %dma_start3A_88 = tpu.memref_slice %arg5[%dma_start3A_85, %dma_start3A_87] : memref<8x200xi32, #tpu.memory_space<vmem>> -> memref<1x200xi32, #tpu.memory_space<vmem>>
      %dma_start3A_89 = tpu.memref_squeeze %dma_start3A_88 : memref<1x200xi32, #tpu.memory_space<vmem>> -> memref<200xi32, #tpu.memory_space<vmem>>
      %dma_start3A_90 = arith.constant 0 : i32
      %dma_start3A_91 = tpu.memref_slice %arg2[%add3A_84, %dma_start3A_90] : memref<4096x200xi32, #tpu.memory_space<hbm>> -> memref<1x200xi32, #tpu.memory_space<hbm>>
      %dma_start3A_92 = tpu.memref_squeeze %dma_start3A_91 : memref<1x200xi32, #tpu.memory_space<hbm>> -> memref<200xi32, #tpu.memory_space<hbm>>
      %dma_start3A_93 = tpu.memref_slice %arg7[%dma_start3A_86] : memref<8x!tpu.dma_semaphore, #tpu.memory_space<semaphore_mem>> -> memref<1x!tpu.dma_semaphore, #tpu.memory_space<semaphore_mem>>
      %dma_start3A_94 = tpu.memref_squeeze %dma_start3A_93 : memref<1x!tpu.dma_semaphore, #tpu.memory_space<semaphore_mem>> -> memref<!tpu.dma_semaphore, #tpu.memory_space<semaphore_mem>>
      %dma_start3A_95 = arith.constant 0 : i32
      %dma_start3A_96 = tpu.memref_slice %arg5[%dma_start3A_85, %dma_start3A_95] : memref<8x200xi32, #tpu.memory_space<vmem>> -> memref<1x200xi32, #tpu.memory_space<vmem>>
      %dma_start3A_97 = tpu.memref_squeeze %dma_start3A_96 : memref<1x200xi32, #tpu.memory_space<vmem>> -> memref<200xi32, #tpu.memory_space<vmem>>
      %dma_start3A_98 = arith.constant 0 : i32
      %dma_start3A_99 = tpu.memref_slice %arg2[%add3A_84, %dma_start3A_98] : memref<4096x200xi32, #tpu.memory_space<hbm>> -> memref<1x200xi32, #tpu.memory_space<hbm>>
      %dma_start3A_100 = tpu.memref_squeeze %dma_start3A_99 : memref<1x200xi32, #tpu.memory_space<hbm>> -> memref<200xi32, #tpu.memory_space<hbm>>
      tpu.enqueue_dma source(%dma_start3A_100 : memref<200xi32, #tpu.memory_space<hbm>>) target(%dma_start3A_97 : memref<200xi32, #tpu.memory_space<vmem>>) target_semaphore(%dma_start3A_94 : memref<!tpu.dma_semaphore, #tpu.memory_space<semaphore_mem>>)
      %add3A_101 = arith.constant 5 : i32
      %add3A_102 = arith.addi %add3A_11, %add3A_101 : i32
      %dma_start3A_103 = arith.constant 5 : i32
      %dma_start3A_104 = arith.constant 5 : i32
      %dma_start3A_105 = arith.constant 0 : i32
      %dma_start3A_106 = tpu.memref_slice %arg5[%dma_start3A_103, %dma_start3A_105] : memref<8x200xi32, #tpu.memory_space<vmem>> -> memref<1x200xi32, #tpu.memory_space<vmem>>
      %dma_start3A_107 = tpu.memref_squeeze %dma_start3A_106 : memref<1x200xi32, #tpu.memory_space<vmem>> -> memref<200xi32, #tpu.memory_space<vmem>>
      %dma_start3A_108 = arith.constant 0 : i32
      %dma_start3A_109 = tpu.memref_slice %arg2[%add3A_102, %dma_start3A_108] : memref<4096x200xi32, #tpu.memory_space<hbm>> -> memref<1x200xi32, #tpu.memory_space<hbm>>
      %dma_start3A_110 = tpu.memref_squeeze %dma_start3A_109 : memref<1x200xi32, #tpu.memory_space<hbm>> -> memref<200xi32, #tpu.memory_space<hbm>>
      %dma_start3A_111 = tpu.memref_slice %arg7[%dma_start3A_104] : memref<8x!tpu.dma_semaphore, #tpu.memory_space<semaphore_mem>> -> memref<1x!tpu.dma_semaphore, #tpu.memory_space<semaphore_mem>>
      %dma_start3A_112 = tpu.memref_squeeze %dma_start3A_111 : memref<1x!tpu.dma_semaphore, #tpu.memory_space<semaphore_mem>> -> memref<!tpu.dma_semaphore, #tpu.memory_space<semaphore_mem>>
      %dma_start3A_113 = arith.constant 0 : i32
      %dma_start3A_114 = tpu.memref_slice %arg5[%dma_start3A_103, %dma_start3A_113] : memref<8x200xi32, #tpu.memory_space<vmem>> -> memref<1x200xi32, #tpu.memory_space<vmem>>
      %dma_start3A_115 = tpu.memref_squeeze %dma_start3A_114 : memref<1x200xi32, #tpu.memory_space<vmem>> -> memref<200xi32, #tpu.memory_space<vmem>>
      %dma_start3A_116 = arith.constant 0 : i32
      %dma_start3A_117 = tpu.memref_slice %arg2[%add3A_102, %dma_start3A_116] : memref<4096x200xi32, #tpu.memory_space<hbm>> -> memref<1x200xi32, #tpu.memory_space<hbm>>
      %dma_start3A_118 = tpu.memref_squeeze %dma_start3A_117 : memref<1x200xi32, #tpu.memory_space<hbm>> -> memref<200xi32, #tpu.memory_space<hbm>>
      tpu.enqueue_dma source(%dma_start3A_118 : memref<200xi32, #tpu.memory_space<hbm>>) target(%dma_start3A_115 : memref<200xi32, #tpu.memory_space<vmem>>) target_semaphore(%dma_start3A_112 : memref<!tpu.dma_semaphore, #tpu.memory_space<semaphore_mem>>)
      %add3A_119 = arith.constant 6 : i32
      %add3A_120 = arith.addi %add3A_11, %add3A_119 : i32
      %dma_start3A_121 = arith.constant 6 : i32
      %dma_start3A_122 = arith.constant 6 : i32
      %dma_start3A_123 = arith.constant 0 : i32
      %dma_start3A_124 = tpu.memref_slice %arg5[%dma_start3A_121, %dma_start3A_123] : memref<8x200xi32, #tpu.memory_space<vmem>> -> memref<1x200xi32, #tpu.memory_space<vmem>>
      %dma_start3A_125 = tpu.memref_squeeze %dma_start3A_124 : memref<1x200xi32, #tpu.memory_space<vmem>> -> memref<200xi32, #tpu.memory_space<vmem>>
      %dma_start3A_126 = arith.constant 0 : i32
      %dma_start3A_127 = tpu.memref_slice %arg2[%add3A_120, %dma_start3A_126] : memref<4096x200xi32, #tpu.memory_space<hbm>> -> memref<1x200xi32, #tpu.memory_space<hbm>>
      %dma_start3A_128 = tpu.memref_squeeze %dma_start3A_127 : memref<1x200xi32, #tpu.memory_space<hbm>> -> memref<200xi32, #tpu.memory_space<hbm>>
      %dma_start3A_129 = tpu.memref_slice %arg7[%dma_start3A_122] : memref<8x!tpu.dma_semaphore, #tpu.memory_space<semaphore_mem>> -> memref<1x!tpu.dma_semaphore, #tpu.memory_space<semaphore_mem>>
      %dma_start3A_130 = tpu.memref_squeeze %dma_start3A_129 : memref<1x!tpu.dma_semaphore, #tpu.memory_space<semaphore_mem>> -> memref<!tpu.dma_semaphore, #tpu.memory_space<semaphore_mem>>
      %dma_start3A_131 = arith.constant 0 : i32
      %dma_start3A_132 = tpu.memref_slice %arg5[%dma_start3A_121, %dma_start3A_131] : memref<8x200xi32, #tpu.memory_space<vmem>> -> memref<1x200xi32, #tpu.memory_space<vmem>>
      %dma_start3A_133 = tpu.memref_squeeze %dma_start3A_132 : memref<1x200xi32, #tpu.memory_space<vmem>> -> memref<200xi32, #tpu.memory_space<vmem>>
      %dma_start3A_134 = arith.constant 0 : i32
      %dma_start3A_135 = tpu.memref_slice %arg2[%add3A_120, %dma_start3A_134] : memref<4096x200xi32, #tpu.memory_space<hbm>> -> memref<1x200xi32, #tpu.memory_space<hbm>>
      %dma_start3A_136 = tpu.memref_squeeze %dma_start3A_135 : memref<1x200xi32, #tpu.memory_space<hbm>> -> memref<200xi32, #tpu.memory_space<hbm>>
      tpu.enqueue_dma source(%dma_start3A_136 : memref<200xi32, #tpu.memory_space<hbm>>) target(%dma_start3A_133 : memref<200xi32, #tpu.memory_space<vmem>>) target_semaphore(%dma_start3A_130 : memref<!tpu.dma_semaphore, #tpu.memory_space<semaphore_mem>>)
      %add3A_137 = arith.constant 7 : i32
      %add3A_138 = arith.addi %add3A_11, %add3A_137 : i32
      %dma_start3A_139 = arith.constant 7 : i32
      %dma_start3A_140 = arith.constant 7 : i32
      %dma_start3A_141 = arith.constant 0 : i32
      %dma_start3A_142 = tpu.memref_slice %arg5[%dma_start3A_139, %dma_start3A_141] : memref<8x200xi32, #tpu.memory_space<vmem>> -> memref<1x200xi32, #tpu.memory_space<vmem>>
      %dma_start3A_143 = tpu.memref_squeeze %dma_start3A_142 : memref<1x200xi32, #tpu.memory_space<vmem>> -> memref<200xi32, #tpu.memory_space<vmem>>
      %dma_start3A_144 = arith.constant 0 : i32
      %dma_start3A_145 = tpu.memref_slice %arg2[%add3A_138, %dma_start3A_144] : memref<4096x200xi32, #tpu.memory_space<hbm>> -> memref<1x200xi32, #tpu.memory_space<hbm>>
      %dma_start3A_146 = tpu.memref_squeeze %dma_start3A_145 : memref<1x200xi32, #tpu.memory_space<hbm>> -> memref<200xi32, #tpu.memory_space<hbm>>
      %dma_start3A_147 = tpu.memref_slice %arg7[%dma_start3A_140] : memref<8x!tpu.dma_semaphore, #tpu.memory_space<semaphore_mem>> -> memref<1x!tpu.dma_semaphore, #tpu.memory_space<semaphore_mem>>
      %dma_start3A_148 = tpu.memref_squeeze %dma_start3A_147 : memref<1x!tpu.dma_semaphore, #tpu.memory_space<semaphore_mem>> -> memref<!tpu.dma_semaphore, #tpu.memory_space<semaphore_mem>>
      %dma_start3A_149 = arith.constant 0 : i32
      %dma_start3A_150 = tpu.memref_slice %arg5[%dma_start3A_139, %dma_start3A_149] : memref<8x200xi32, #tpu.memory_space<vmem>> -> memref<1x200xi32, #tpu.memory_space<vmem>>
      %dma_start3A_151 = tpu.memref_squeeze %dma_start3A_150 : memref<1x200xi32, #tpu.memory_space<vmem>> -> memref<200xi32, #tpu.memory_space<vmem>>
      %dma_start3A_152 = arith.constant 0 : i32
      %dma_start3A_153 = tpu.memref_slice %arg2[%add3A_138, %dma_start3A_152] : memref<4096x200xi32, #tpu.memory_space<hbm>> -> memref<1x200xi32, #tpu.memory_space<hbm>>
      %dma_start3A_154 = tpu.memref_squeeze %dma_start3A_153 : memref<1x200xi32, #tpu.memory_space<hbm>> -> memref<200xi32, #tpu.memory_space<hbm>>
      tpu.enqueue_dma source(%dma_start3A_154 : memref<200xi32, #tpu.memory_space<hbm>>) target(%dma_start3A_151 : memref<200xi32, #tpu.memory_space<vmem>>) target_semaphore(%dma_start3A_148 : memref<!tpu.dma_semaphore, #tpu.memory_space<semaphore_mem>>)
      %add3A_155 = arith.constant 0 : i32
      %add3A_156 = arith.addi %add3A_11, %add3A_155 : i32
      %dma_wait3A = arith.constant 0 : i32
      %dma_wait3A_157 = arith.constant 0 : i32
      %dma_wait3A_158 = arith.constant 0 : i32
      %dma_wait3A_159 = tpu.memref_slice %arg5[%dma_wait3A, %dma_wait3A_158] : memref<8x200xi32, #tpu.memory_space<vmem>> -> memref<1x200xi32, #tpu.memory_space<vmem>>
      %dma_wait3A_160 = tpu.memref_squeeze %dma_wait3A_159 : memref<1x200xi32, #tpu.memory_space<vmem>> -> memref<200xi32, #tpu.memory_space<vmem>>
      %dma_wait3A_161 = arith.constant 0 : i32
      %dma_wait3A_162 = tpu.memref_slice %arg2[%add3A_156, %dma_wait3A_161] : memref<4096x200xi32, #tpu.memory_space<hbm>> -> memref<1x200xi32, #tpu.memory_space<hbm>>
      %dma_wait3A_163 = tpu.memref_squeeze %dma_wait3A_162 : memref<1x200xi32, #tpu.memory_space<hbm>> -> memref<200xi32, #tpu.memory_space<hbm>>
      %dma_wait3A_164 = tpu.memref_slice %arg7[%dma_wait3A_157] : memref<8x!tpu.dma_semaphore, #tpu.memory_space<semaphore_mem>> -> memref<1x!tpu.dma_semaphore, #tpu.memory_space<semaphore_mem>>
      %dma_wait3A_165 = tpu.memref_squeeze %dma_wait3A_164 : memref<1x!tpu.dma_semaphore, #tpu.memory_space<semaphore_mem>> -> memref<!tpu.dma_semaphore, #tpu.memory_space<semaphore_mem>>
      %dma_wait3A_166 = arith.constant 0 : i32
      %dma_wait3A_167 = tpu.memref_slice %arg5[%dma_wait3A, %dma_wait3A_166] : memref<8x200xi32, #tpu.memory_space<vmem>> -> memref<1x200xi32, #tpu.memory_space<vmem>>
      %dma_wait3A_168 = tpu.memref_squeeze %dma_wait3A_167 : memref<1x200xi32, #tpu.memory_space<vmem>> -> memref<200xi32, #tpu.memory_space<vmem>>
      %dma_wait3A_169 = arith.constant 0 : i32
      %dma_wait3A_170 = tpu.memref_slice %arg2[%add3A_156, %dma_wait3A_169] : memref<4096x200xi32, #tpu.memory_space<hbm>> -> memref<1x200xi32, #tpu.memory_space<hbm>>
      %dma_wait3A_171 = tpu.memref_squeeze %dma_wait3A_170 : memref<1x200xi32, #tpu.memory_space<hbm>> -> memref<200xi32, #tpu.memory_space<hbm>>
      tpu.wait_dma2 semaphore(%dma_wait3A_165 : memref<!tpu.dma_semaphore, #tpu.memory_space<semaphore_mem>>) src(%dma_wait3A_171 : memref<200xi32, #tpu.memory_space<hbm>>) dst(%dma_wait3A_168 : memref<200xi32, #tpu.memory_space<vmem>>)
      %dma_start3A_172 = arith.constant 0 : i32
      %dma_start3A_173 = arith.constant 0 : i32
      %dma_start3A_174 = arith.constant 0 : i32
      %dma_start3A_175 = arith.constant 0 : i32
      %dma_start3A_176 = arith.constant 0 : i32
      %dma_start3A_177 = tpu.memref_slice %arg6[%dma_start3A_173, %dma_start3A_175, %dma_start3A_176] : memref<8x200x64xf32, #tpu.memory_space<vmem>> -> memref<1x200x64xf32, #tpu.memory_space<vmem>>
      %dma_start3A_178 = tpu.memref_squeeze %dma_start3A_177 : memref<1x200x64xf32, #tpu.memory_space<vmem>> -> memref<200x64xf32, #tpu.memory_space<vmem>>
      %dma_start3A_179 = arith.constant 0 : i32
      %dma_start3A_180 = tpu.memref_slice %arg5[%dma_start3A_172, %dma_start3A_179] : memref<8x200xi32, #tpu.memory_space<vmem>> -> memref<1x200xi32, #tpu.memory_space<vmem>>
      %dma_start3A_181 = tpu.memref_squeeze %dma_start3A_180 : memref<1x200xi32, #tpu.memory_space<vmem>> -> memref<200xi32, #tpu.memory_space<vmem>>
      %dma_start3A_182 = arith.constant 0 : i32
      %dma_start3A_183 = arith.constant 0 : i32
      %dma_start3A_184 = tpu.memref_slice %arg3[%dma_start3A_182, %dma_start3A_183] : memref<1000000x64xf32, #tpu.memory_space<hbm>> -> memref<1000000x64xf32, #tpu.memory_space<hbm>>
      %dma_start3A_185 = tpu.memref_slice %arg8[%dma_start3A_174] : memref<8x!tpu.dma_semaphore, #tpu.memory_space<semaphore_mem>> -> memref<1x!tpu.dma_semaphore, #tpu.memory_space<semaphore_mem>>
      %dma_start3A_186 = tpu.memref_squeeze %dma_start3A_185 : memref<1x!tpu.dma_semaphore, #tpu.memory_space<semaphore_mem>> -> memref<!tpu.dma_semaphore, #tpu.memory_space<semaphore_mem>>
      tpu.enqueue_indirect_dma source(%dma_start3A_184 : memref<1000000x64xf32, #tpu.memory_space<hbm>>) target(%dma_start3A_178 : memref<200x64xf32, #tpu.memory_space<vmem>>) offsets(%dma_start3A_181 : memref<200xi32, #tpu.memory_space<vmem>>) semaphore(%dma_start3A_186 : memref<!tpu.dma_semaphore, #tpu.memory_space<semaphore_mem>>)
      %add3A_187 = arith.constant 1 : i32
      %add3A_188 = arith.addi %add3A_11, %add3A_187 : i32
      %dma_wait3A_189 = arith.constant 1 : i32
      %dma_wait3A_190 = arith.constant 1 : i32
      %dma_wait3A_191 = arith.constant 0 : i32
      %dma_wait3A_192 = tpu.memref_slice %arg5[%dma_wait3A_189, %dma_wait3A_191] : memref<8x200xi32, #tpu.memory_space<vmem>> -> memref<1x200xi32, #tpu.memory_space<vmem>>
      %dma_wait3A_193 = tpu.memref_squeeze %dma_wait3A_192 : memref<1x200xi32, #tpu.memory_space<vmem>> -> memref<200xi32, #tpu.memory_space<vmem>>
      %dma_wait3A_194 = arith.constant 0 : i32
      %dma_wait3A_195 = tpu.memref_slice %arg2[%add3A_188, %dma_wait3A_194] : memref<4096x200xi32, #tpu.memory_space<hbm>> -> memref<1x200xi32, #tpu.memory_space<hbm>>
      %dma_wait3A_196 = tpu.memref_squeeze %dma_wait3A_195 : memref<1x200xi32, #tpu.memory_space<hbm>> -> memref<200xi32, #tpu.memory_space<hbm>>
      %dma_wait3A_197 = tpu.memref_slice %arg7[%dma_wait3A_190] : memref<8x!tpu.dma_semaphore, #tpu.memory_space<semaphore_mem>> -> memref<1x!tpu.dma_semaphore, #tpu.memory_space<semaphore_mem>>
      %dma_wait3A_198 = tpu.memref_squeeze %dma_wait3A_197 : memref<1x!tpu.dma_semaphore, #tpu.memory_space<semaphore_mem>> -> memref<!tpu.dma_semaphore, #tpu.memory_space<semaphore_mem>>
      %dma_wait3A_199 = arith.constant 0 : i32
      %dma_wait3A_200 = tpu.memref_slice %arg5[%dma_wait3A_189, %dma_wait3A_199] : memref<8x200xi32, #tpu.memory_space<vmem>> -> memref<1x200xi32, #tpu.memory_space<vmem>>
      %dma_wait3A_201 = tpu.memref_squeeze %dma_wait3A_200 : memref<1x200xi32, #tpu.memory_space<vmem>> -> memref<200xi32, #tpu.memory_space<vmem>>
      %dma_wait3A_202 = arith.constant 0 : i32
      %dma_wait3A_203 = tpu.memref_slice %arg2[%add3A_188, %dma_wait3A_202] : memref<4096x200xi32, #tpu.memory_space<hbm>> -> memref<1x200xi32, #tpu.memory_space<hbm>>
      %dma_wait3A_204 = tpu.memref_squeeze %dma_wait3A_203 : memref<1x200xi32, #tpu.memory_space<hbm>> -> memref<200xi32, #tpu.memory_space<hbm>>
      tpu.wait_dma2 semaphore(%dma_wait3A_198 : memref<!tpu.dma_semaphore, #tpu.memory_space<semaphore_mem>>) src(%dma_wait3A_204 : memref<200xi32, #tpu.memory_space<hbm>>) dst(%dma_wait3A_201 : memref<200xi32, #tpu.memory_space<vmem>>)
      %dma_start3A_205 = arith.constant 1 : i32
      %dma_start3A_206 = arith.constant 1 : i32
      %dma_start3A_207 = arith.constant 1 : i32
      %dma_start3A_208 = arith.constant 0 : i32
      %dma_start3A_209 = arith.constant 0 : i32
      %dma_start3A_210 = tpu.memref_slice %arg6[%dma_start3A_206, %dma_start3A_208, %dma_start3A_209] : memref<8x200x64xf32, #tpu.memory_space<vmem>> -> memref<1x200x64xf32, #tpu.memory_space<vmem>>
      %dma_start3A_211 = tpu.memref_squeeze %dma_start3A_210 : memref<1x200x64xf32, #tpu.memory_space<vmem>> -> memref<200x64xf32, #tpu.memory_space<vmem>>
      %dma_start3A_212 = arith.constant 0 : i32
      %dma_start3A_213 = tpu.memref_slice %arg5[%dma_start3A_205, %dma_start3A_212] : memref<8x200xi32, #tpu.memory_space<vmem>> -> memref<1x200xi32, #tpu.memory_space<vmem>>
      %dma_start3A_214 = tpu.memref_squeeze %dma_start3A_213 : memref<1x200xi32, #tpu.memory_space<vmem>> -> memref<200xi32, #tpu.memory_space<vmem>>
      %dma_start3A_215 = arith.constant 0 : i32
      %dma_start3A_216 = arith.constant 0 : i32
      %dma_start3A_217 = tpu.memref_slice %arg3[%dma_start3A_215, %dma_start3A_216] : memref<1000000x64xf32, #tpu.memory_space<hbm>> -> memref<1000000x64xf32, #tpu.memory_space<hbm>>
      %dma_start3A_218 = tpu.memref_slice %arg8[%dma_start3A_207] : memref<8x!tpu.dma_semaphore, #tpu.memory_space<semaphore_mem>> -> memref<1x!tpu.dma_semaphore, #tpu.memory_space<semaphore_mem>>
      %dma_start3A_219 = tpu.memref_squeeze %dma_start3A_218 : memref<1x!tpu.dma_semaphore, #tpu.memory_space<semaphore_mem>> -> memref<!tpu.dma_semaphore, #tpu.memory_space<semaphore_mem>>
      tpu.enqueue_indirect_dma source(%dma_start3A_217 : memref<1000000x64xf32, #tpu.memory_space<hbm>>) target(%dma_start3A_211 : memref<200x64xf32, #tpu.memory_space<vmem>>) offsets(%dma_start3A_214 : memref<200xi32, #tpu.memory_space<vmem>>) semaphore(%dma_start3A_219 : memref<!tpu.dma_semaphore, #tpu.memory_space<semaphore_mem>>)
      %add3A_220 = arith.constant 2 : i32
      %add3A_221 = arith.addi %add3A_11, %add3A_220 : i32
      %dma_wait3A_222 = arith.constant 2 : i32
      %dma_wait3A_223 = arith.constant 2 : i32
      %dma_wait3A_224 = arith.constant 0 : i32
      %dma_wait3A_225 = tpu.memref_slice %arg5[%dma_wait3A_222, %dma_wait3A_224] : memref<8x200xi32, #tpu.memory_space<vmem>> -> memref<1x200xi32, #tpu.memory_space<vmem>>
      %dma_wait3A_226 = tpu.memref_squeeze %dma_wait3A_225 : memref<1x200xi32, #tpu.memory_space<vmem>> -> memref<200xi32, #tpu.memory_space<vmem>>
      %dma_wait3A_227 = arith.constant 0 : i32
      %dma_wait3A_228 = tpu.memref_slice %arg2[%add3A_221, %dma_wait3A_227] : memref<4096x200xi32, #tpu.memory_space<hbm>> -> memref<1x200xi32, #tpu.memory_space<hbm>>
      %dma_wait3A_229 = tpu.memref_squeeze %dma_wait3A_228 : memref<1x200xi32, #tpu.memory_space<hbm>> -> memref<200xi32, #tpu.memory_space<hbm>>
      %dma_wait3A_230 = tpu.memref_slice %arg7[%dma_wait3A_223] : memref<8x!tpu.dma_semaphore, #tpu.memory_space<semaphore_mem>> -> memref<1x!tpu.dma_semaphore, #tpu.memory_space<semaphore_mem>>
      %dma_wait3A_231 = tpu.memref_squeeze %dma_wait3A_230 : memref<1x!tpu.dma_semaphore, #tpu.memory_space<semaphore_mem>> -> memref<!tpu.dma_semaphore, #tpu.memory_space<semaphore_mem>>
      %dma_wait3A_232 = arith.constant 0 : i32
      %dma_wait3A_233 = tpu.memref_slice %arg5[%dma_wait3A_222, %dma_wait3A_232] : memref<8x200xi32, #tpu.memory_space<vmem>> -> memref<1x200xi32, #tpu.memory_space<vmem>>
      %dma_wait3A_234 = tpu.memref_squeeze %dma_wait3A_233 : memref<1x200xi32, #tpu.memory_space<vmem>> -> memref<200xi32, #tpu.memory_space<vmem>>
      %dma_wait3A_235 = arith.constant 0 : i32
      %dma_wait3A_236 = tpu.memref_slice %arg2[%add3A_221, %dma_wait3A_235] : memref<4096x200xi32, #tpu.memory_space<hbm>> -> memref<1x200xi32, #tpu.memory_space<hbm>>
      %dma_wait3A_237 = tpu.memref_squeeze %dma_wait3A_236 : memref<1x200xi32, #tpu.memory_space<hbm>> -> memref<200xi32, #tpu.memory_space<hbm>>
      tpu.wait_dma2 semaphore(%dma_wait3A_231 : memref<!tpu.dma_semaphore, #tpu.memory_space<semaphore_mem>>) src(%dma_wait3A_237 : memref<200xi32, #tpu.memory_space<hbm>>) dst(%dma_wait3A_234 : memref<200xi32, #tpu.memory_space<vmem>>)
      %dma_start3A_238 = arith.constant 2 : i32
      %dma_start3A_239 = arith.constant 2 : i32
      %dma_start3A_240 = arith.constant 2 : i32
      %dma_start3A_241 = arith.constant 0 : i32
      %dma_start3A_242 = arith.constant 0 : i32
      %dma_start3A_243 = tpu.memref_slice %arg6[%dma_start3A_239, %dma_start3A_241, %dma_start3A_242] : memref<8x200x64xf32, #tpu.memory_space<vmem>> -> memref<1x200x64xf32, #tpu.memory_space<vmem>>
      %dma_start3A_244 = tpu.memref_squeeze %dma_start3A_243 : memref<1x200x64xf32, #tpu.memory_space<vmem>> -> memref<200x64xf32, #tpu.memory_space<vmem>>
      %dma_start3A_245 = arith.constant 0 : i32
      %dma_start3A_246 = tpu.memref_slice %arg5[%dma_start3A_238, %dma_start3A_245] : memref<8x200xi32, #tpu.memory_space<vmem>> -> memref<1x200xi32, #tpu.memory_space<vmem>>
      %dma_start3A_247 = tpu.memref_squeeze %dma_start3A_246 : memref<1x200xi32, #tpu.memory_space<vmem>> -> memref<200xi32, #tpu.memory_space<vmem>>
      %dma_start3A_248 = arith.constant 0 : i32
      %dma_start3A_249 = arith.constant 0 : i32
      %dma_start3A_250 = tpu.memref_slice %arg3[%dma_start3A_248, %dma_start3A_249] : memref<1000000x64xf32, #tpu.memory_space<hbm>> -> memref<1000000x64xf32, #tpu.memory_space<hbm>>
      %dma_start3A_251 = tpu.memref_slice %arg8[%dma_start3A_240] : memref<8x!tpu.dma_semaphore, #tpu.memory_space<semaphore_mem>> -> memref<1x!tpu.dma_semaphore, #tpu.memory_space<semaphore_mem>>
      %dma_start3A_252 = tpu.memref_squeeze %dma_start3A_251 : memref<1x!tpu.dma_semaphore, #tpu.memory_space<semaphore_mem>> -> memref<!tpu.dma_semaphore, #tpu.memory_space<semaphore_mem>>
      tpu.enqueue_indirect_dma source(%dma_start3A_250 : memref<1000000x64xf32, #tpu.memory_space<hbm>>) target(%dma_start3A_244 : memref<200x64xf32, #tpu.memory_space<vmem>>) offsets(%dma_start3A_247 : memref<200xi32, #tpu.memory_space<vmem>>) semaphore(%dma_start3A_252 : memref<!tpu.dma_semaphore, #tpu.memory_space<semaphore_mem>>)
      %add3A_253 = arith.constant 3 : i32
      %add3A_254 = arith.addi %add3A_11, %add3A_253 : i32
      %dma_wait3A_255 = arith.constant 3 : i32
      %dma_wait3A_256 = arith.constant 3 : i32
      %dma_wait3A_257 = arith.constant 0 : i32
      %dma_wait3A_258 = tpu.memref_slice %arg5[%dma_wait3A_255, %dma_wait3A_257] : memref<8x200xi32, #tpu.memory_space<vmem>> -> memref<1x200xi32, #tpu.memory_space<vmem>>
      %dma_wait3A_259 = tpu.memref_squeeze %dma_wait3A_258 : memref<1x200xi32, #tpu.memory_space<vmem>> -> memref<200xi32, #tpu.memory_space<vmem>>
      %dma_wait3A_260 = arith.constant 0 : i32
      %dma_wait3A_261 = tpu.memref_slice %arg2[%add3A_254, %dma_wait3A_260] : memref<4096x200xi32, #tpu.memory_space<hbm>> -> memref<1x200xi32, #tpu.memory_space<hbm>>
      %dma_wait3A_262 = tpu.memref_squeeze %dma_wait3A_261 : memref<1x200xi32, #tpu.memory_space<hbm>> -> memref<200xi32, #tpu.memory_space<hbm>>
      %dma_wait3A_263 = tpu.memref_slice %arg7[%dma_wait3A_256] : memref<8x!tpu.dma_semaphore, #tpu.memory_space<semaphore_mem>> -> memref<1x!tpu.dma_semaphore, #tpu.memory_space<semaphore_mem>>
      %dma_wait3A_264 = tpu.memref_squeeze %dma_wait3A_263 : memref<1x!tpu.dma_semaphore, #tpu.memory_space<semaphore_mem>> -> memref<!tpu.dma_semaphore, #tpu.memory_space<semaphore_mem>>
      %dma_wait3A_265 = arith.constant 0 : i32
      %dma_wait3A_266 = tpu.memref_slice %arg5[%dma_wait3A_255, %dma_wait3A_265] : memref<8x200xi32, #tpu.memory_space<vmem>> -> memref<1x200xi32, #tpu.memory_space<vmem>>
      %dma_wait3A_267 = tpu.memref_squeeze %dma_wait3A_266 : memref<1x200xi32, #tpu.memory_space<vmem>> -> memref<200xi32, #tpu.memory_space<vmem>>
      %dma_wait3A_268 = arith.constant 0 : i32
      %dma_wait3A_269 = tpu.memref_slice %arg2[%add3A_254, %dma_wait3A_268] : memref<4096x200xi32, #tpu.memory_space<hbm>> -> memref<1x200xi32, #tpu.memory_space<hbm>>
      %dma_wait3A_270 = tpu.memref_squeeze %dma_wait3A_269 : memref<1x200xi32, #tpu.memory_space<hbm>> -> memref<200xi32, #tpu.memory_space<hbm>>
      tpu.wait_dma2 semaphore(%dma_wait3A_264 : memref<!tpu.dma_semaphore, #tpu.memory_space<semaphore_mem>>) src(%dma_wait3A_270 : memref<200xi32, #tpu.memory_space<hbm>>) dst(%dma_wait3A_267 : memref<200xi32, #tpu.memory_space<vmem>>)
      %dma_start3A_271 = arith.constant 3 : i32
      %dma_start3A_272 = arith.constant 3 : i32
      %dma_start3A_273 = arith.constant 3 : i32
      %dma_start3A_274 = arith.constant 0 : i32
      %dma_start3A_275 = arith.constant 0 : i32
      %dma_start3A_276 = tpu.memref_slice %arg6[%dma_start3A_272, %dma_start3A_274, %dma_start3A_275] : memref<8x200x64xf32, #tpu.memory_space<vmem>> -> memref<1x200x64xf32, #tpu.memory_space<vmem>>
      %dma_start3A_277 = tpu.memref_squeeze %dma_start3A_276 : memref<1x200x64xf32, #tpu.memory_space<vmem>> -> memref<200x64xf32, #tpu.memory_space<vmem>>
      %dma_start3A_278 = arith.constant 0 : i32
      %dma_start3A_279 = tpu.memref_slice %arg5[%dma_start3A_271, %dma_start3A_278] : memref<8x200xi32, #tpu.memory_space<vmem>> -> memref<1x200xi32, #tpu.memory_space<vmem>>
      %dma_start3A_280 = tpu.memref_squeeze %dma_start3A_279 : memref<1x200xi32, #tpu.memory_space<vmem>> -> memref<200xi32, #tpu.memory_space<vmem>>
      %dma_start3A_281 = arith.constant 0 : i32
      %dma_start3A_282 = arith.constant 0 : i32
      %dma_start3A_283 = tpu.memref_slice %arg3[%dma_start3A_281, %dma_start3A_282] : memref<1000000x64xf32, #tpu.memory_space<hbm>> -> memref<1000000x64xf32, #tpu.memory_space<hbm>>
      %dma_start3A_284 = tpu.memref_slice %arg8[%dma_start3A_273] : memref<8x!tpu.dma_semaphore, #tpu.memory_space<semaphore_mem>> -> memref<1x!tpu.dma_semaphore, #tpu.memory_space<semaphore_mem>>
      %dma_start3A_285 = tpu.memref_squeeze %dma_start3A_284 : memref<1x!tpu.dma_semaphore, #tpu.memory_space<semaphore_mem>> -> memref<!tpu.dma_semaphore, #tpu.memory_space<semaphore_mem>>
      tpu.enqueue_indirect_dma source(%dma_start3A_283 : memref<1000000x64xf32, #tpu.memory_space<hbm>>) target(%dma_start3A_277 : memref<200x64xf32, #tpu.memory_space<vmem>>) offsets(%dma_start3A_280 : memref<200xi32, #tpu.memory_space<vmem>>) semaphore(%dma_start3A_285 : memref<!tpu.dma_semaphore, #tpu.memory_space<semaphore_mem>>)
      %add3A_286 = arith.constant 4 : i32
      %add3A_287 = arith.addi %add3A_11, %add3A_286 : i32
      %dma_wait3A_288 = arith.constant 4 : i32
      %dma_wait3A_289 = arith.constant 4 : i32
      %dma_wait3A_290 = arith.constant 0 : i32
      %dma_wait3A_291 = tpu.memref_slice %arg5[%dma_wait3A_288, %dma_wait3A_290] : memref<8x200xi32, #tpu.memory_space<vmem>> -> memref<1x200xi32, #tpu.memory_space<vmem>>
      %dma_wait3A_292 = tpu.memref_squeeze %dma_wait3A_291 : memref<1x200xi32, #tpu.memory_space<vmem>> -> memref<200xi32, #tpu.memory_space<vmem>>
      %dma_wait3A_293 = arith.constant 0 : i32
      %dma_wait3A_294 = tpu.memref_slice %arg2[%add3A_287, %dma_wait3A_293] : memref<4096x200xi32, #tpu.memory_space<hbm>> -> memref<1x200xi32, #tpu.memory_space<hbm>>
      %dma_wait3A_295 = tpu.memref_squeeze %dma_wait3A_294 : memref<1x200xi32, #tpu.memory_space<hbm>> -> memref<200xi32, #tpu.memory_space<hbm>>
      %dma_wait3A_296 = tpu.memref_slice %arg7[%dma_wait3A_289] : memref<8x!tpu.dma_semaphore, #tpu.memory_space<semaphore_mem>> -> memref<1x!tpu.dma_semaphore, #tpu.memory_space<semaphore_mem>>
      %dma_wait3A_297 = tpu.memref_squeeze %dma_wait3A_296 : memref<1x!tpu.dma_semaphore, #tpu.memory_space<semaphore_mem>> -> memref<!tpu.dma_semaphore, #tpu.memory_space<semaphore_mem>>
      %dma_wait3A_298 = arith.constant 0 : i32
      %dma_wait3A_299 = tpu.memref_slice %arg5[%dma_wait3A_288, %dma_wait3A_298] : memref<8x200xi32, #tpu.memory_space<vmem>> -> memref<1x200xi32, #tpu.memory_space<vmem>>
      %dma_wait3A_300 = tpu.memref_squeeze %dma_wait3A_299 : memref<1x200xi32, #tpu.memory_space<vmem>> -> memref<200xi32, #tpu.memory_space<vmem>>
      %dma_wait3A_301 = arith.constant 0 : i32
      %dma_wait3A_302 = tpu.memref_slice %arg2[%add3A_287, %dma_wait3A_301] : memref<4096x200xi32, #tpu.memory_space<hbm>> -> memref<1x200xi32, #tpu.memory_space<hbm>>
      %dma_wait3A_303 = tpu.memref_squeeze %dma_wait3A_302 : memref<1x200xi32, #tpu.memory_space<hbm>> -> memref<200xi32, #tpu.memory_space<hbm>>
      tpu.wait_dma2 semaphore(%dma_wait3A_297 : memref<!tpu.dma_semaphore, #tpu.memory_space<semaphore_mem>>) src(%dma_wait3A_303 : memref<200xi32, #tpu.memory_space<hbm>>) dst(%dma_wait3A_300 : memref<200xi32, #tpu.memory_space<vmem>>)
      %dma_start3A_304 = arith.constant 4 : i32
      %dma_start3A_305 = arith.constant 4 : i32
      %dma_start3A_306 = arith.constant 4 : i32
      %dma_start3A_307 = arith.constant 0 : i32
      %dma_start3A_308 = arith.constant 0 : i32
      %dma_start3A_309 = tpu.memref_slice %arg6[%dma_start3A_305, %dma_start3A_307, %dma_start3A_308] : memref<8x200x64xf32, #tpu.memory_space<vmem>> -> memref<1x200x64xf32, #tpu.memory_space<vmem>>
      %dma_start3A_310 = tpu.memref_squeeze %dma_start3A_309 : memref<1x200x64xf32, #tpu.memory_space<vmem>> -> memref<200x64xf32, #tpu.memory_space<vmem>>
      %dma_start3A_311 = arith.constant 0 : i32
      %dma_start3A_312 = tpu.memref_slice %arg5[%dma_start3A_304, %dma_start3A_311] : memref<8x200xi32, #tpu.memory_space<vmem>> -> memref<1x200xi32, #tpu.memory_space<vmem>>
      %dma_start3A_313 = tpu.memref_squeeze %dma_start3A_312 : memref<1x200xi32, #tpu.memory_space<vmem>> -> memref<200xi32, #tpu.memory_space<vmem>>
      %dma_start3A_314 = arith.constant 0 : i32
      %dma_start3A_315 = arith.constant 0 : i32
      %dma_start3A_316 = tpu.memref_slice %arg3[%dma_start3A_314, %dma_start3A_315] : memref<1000000x64xf32, #tpu.memory_space<hbm>> -> memref<1000000x64xf32, #tpu.memory_space<hbm>>
      %dma_start3A_317 = tpu.memref_slice %arg8[%dma_start3A_306] : memref<8x!tpu.dma_semaphore, #tpu.memory_space<semaphore_mem>> -> memref<1x!tpu.dma_semaphore, #tpu.memory_space<semaphore_mem>>
      %dma_start3A_318 = tpu.memref_squeeze %dma_start3A_317 : memref<1x!tpu.dma_semaphore, #tpu.memory_space<semaphore_mem>> -> memref<!tpu.dma_semaphore, #tpu.memory_space<semaphore_mem>>
      tpu.enqueue_indirect_dma source(%dma_start3A_316 : memref<1000000x64xf32, #tpu.memory_space<hbm>>) target(%dma_start3A_310 : memref<200x64xf32, #tpu.memory_space<vmem>>) offsets(%dma_start3A_313 : memref<200xi32, #tpu.memory_space<vmem>>) semaphore(%dma_start3A_318 : memref<!tpu.dma_semaphore, #tpu.memory_space<semaphore_mem>>)
      %add3A_319 = arith.constant 5 : i32
      %add3A_320 = arith.addi %add3A_11, %add3A_319 : i32
      %dma_wait3A_321 = arith.constant 5 : i32
      %dma_wait3A_322 = arith.constant 5 : i32
      %dma_wait3A_323 = arith.constant 0 : i32
      %dma_wait3A_324 = tpu.memref_slice %arg5[%dma_wait3A_321, %dma_wait3A_323] : memref<8x200xi32, #tpu.memory_space<vmem>> -> memref<1x200xi32, #tpu.memory_space<vmem>>
      %dma_wait3A_325 = tpu.memref_squeeze %dma_wait3A_324 : memref<1x200xi32, #tpu.memory_space<vmem>> -> memref<200xi32, #tpu.memory_space<vmem>>
      %dma_wait3A_326 = arith.constant 0 : i32
      %dma_wait3A_327 = tpu.memref_slice %arg2[%add3A_320, %dma_wait3A_326] : memref<4096x200xi32, #tpu.memory_space<hbm>> -> memref<1x200xi32, #tpu.memory_space<hbm>>
      %dma_wait3A_328 = tpu.memref_squeeze %dma_wait3A_327 : memref<1x200xi32, #tpu.memory_space<hbm>> -> memref<200xi32, #tpu.memory_space<hbm>>
      %dma_wait3A_329 = tpu.memref_slice %arg7[%dma_wait3A_322] : memref<8x!tpu.dma_semaphore, #tpu.memory_space<semaphore_mem>> -> memref<1x!tpu.dma_semaphore, #tpu.memory_space<semaphore_mem>>
      %dma_wait3A_330 = tpu.memref_squeeze %dma_wait3A_329 : memref<1x!tpu.dma_semaphore, #tpu.memory_space<semaphore_mem>> -> memref<!tpu.dma_semaphore, #tpu.memory_space<semaphore_mem>>
      %dma_wait3A_331 = arith.constant 0 : i32
      %dma_wait3A_332 = tpu.memref_slice %arg5[%dma_wait3A_321, %dma_wait3A_331] : memref<8x200xi32, #tpu.memory_space<vmem>> -> memref<1x200xi32, #tpu.memory_space<vmem>>
      %dma_wait3A_333 = tpu.memref_squeeze %dma_wait3A_332 : memref<1x200xi32, #tpu.memory_space<vmem>> -> memref<200xi32, #tpu.memory_space<vmem>>
      %dma_wait3A_334 = arith.constant 0 : i32
      %dma_wait3A_335 = tpu.memref_slice %arg2[%add3A_320, %dma_wait3A_334] : memref<4096x200xi32, #tpu.memory_space<hbm>> -> memref<1x200xi32, #tpu.memory_space<hbm>>
      %dma_wait3A_336 = tpu.memref_squeeze %dma_wait3A_335 : memref<1x200xi32, #tpu.memory_space<hbm>> -> memref<200xi32, #tpu.memory_space<hbm>>
      tpu.wait_dma2 semaphore(%dma_wait3A_330 : memref<!tpu.dma_semaphore, #tpu.memory_space<semaphore_mem>>) src(%dma_wait3A_336 : memref<200xi32, #tpu.memory_space<hbm>>) dst(%dma_wait3A_333 : memref<200xi32, #tpu.memory_space<vmem>>)
      %dma_start3A_337 = arith.constant 5 : i32
      %dma_start3A_338 = arith.constant 5 : i32
      %dma_start3A_339 = arith.constant 5 : i32
      %dma_start3A_340 = arith.constant 0 : i32
      %dma_start3A_341 = arith.constant 0 : i32
      %dma_start3A_342 = tpu.memref_slice %arg6[%dma_start3A_338, %dma_start3A_340, %dma_start3A_341] : memref<8x200x64xf32, #tpu.memory_space<vmem>> -> memref<1x200x64xf32, #tpu.memory_space<vmem>>
      %dma_start3A_343 = tpu.memref_squeeze %dma_start3A_342 : memref<1x200x64xf32, #tpu.memory_space<vmem>> -> memref<200x64xf32, #tpu.memory_space<vmem>>
      %dma_start3A_344 = arith.constant 0 : i32
      %dma_start3A_345 = tpu.memref_slice %arg5[%dma_start3A_337, %dma_start3A_344] : memref<8x200xi32, #tpu.memory_space<vmem>> -> memref<1x200xi32, #tpu.memory_space<vmem>>
      %dma_start3A_346 = tpu.memref_squeeze %dma_start3A_345 : memref<1x200xi32, #tpu.memory_space<vmem>> -> memref<200xi32, #tpu.memory_space<vmem>>
      %dma_start3A_347 = arith.constant 0 : i32
      %dma_start3A_348 = arith.constant 0 : i32
      %dma_start3A_349 = tpu.memref_slice %arg3[%dma_start3A_347, %dma_start3A_348] : memref<1000000x64xf32, #tpu.memory_space<hbm>> -> memref<1000000x64xf32, #tpu.memory_space<hbm>>
      %dma_start3A_350 = tpu.memref_slice %arg8[%dma_start3A_339] : memref<8x!tpu.dma_semaphore, #tpu.memory_space<semaphore_mem>> -> memref<1x!tpu.dma_semaphore, #tpu.memory_space<semaphore_mem>>
      %dma_start3A_351 = tpu.memref_squeeze %dma_start3A_350 : memref<1x!tpu.dma_semaphore, #tpu.memory_space<semaphore_mem>> -> memref<!tpu.dma_semaphore, #tpu.memory_space<semaphore_mem>>
      tpu.enqueue_indirect_dma source(%dma_start3A_349 : memref<1000000x64xf32, #tpu.memory_space<hbm>>) target(%dma_start3A_343 : memref<200x64xf32, #tpu.memory_space<vmem>>) offsets(%dma_start3A_346 : memref<200xi32, #tpu.memory_space<vmem>>) semaphore(%dma_start3A_351 : memref<!tpu.dma_semaphore, #tpu.memory_space<semaphore_mem>>)
      %add3A_352 = arith.constant 6 : i32
      %add3A_353 = arith.addi %add3A_11, %add3A_352 : i32
      %dma_wait3A_354 = arith.constant 6 : i32
      %dma_wait3A_355 = arith.constant 6 : i32
      %dma_wait3A_356 = arith.constant 0 : i32
      %dma_wait3A_357 = tpu.memref_slice %arg5[%dma_wait3A_354, %dma_wait3A_356] : memref<8x200xi32, #tpu.memory_space<vmem>> -> memref<1x200xi32, #tpu.memory_space<vmem>>
      %dma_wait3A_358 = tpu.memref_squeeze %dma_wait3A_357 : memref<1x200xi32, #tpu.memory_space<vmem>> -> memref<200xi32, #tpu.memory_space<vmem>>
      %dma_wait3A_359 = arith.constant 0 : i32
      %dma_wait3A_360 = tpu.memref_slice %arg2[%add3A_353, %dma_wait3A_359] : memref<4096x200xi32, #tpu.memory_space<hbm>> -> memref<1x200xi32, #tpu.memory_space<hbm>>
      %dma_wait3A_361 = tpu.memref_squeeze %dma_wait3A_360 : memref<1x200xi32, #tpu.memory_space<hbm>> -> memref<200xi32, #tpu.memory_space<hbm>>
      %dma_wait3A_362 = tpu.memref_slice %arg7[%dma_wait3A_355] : memref<8x!tpu.dma_semaphore, #tpu.memory_space<semaphore_mem>> -> memref<1x!tpu.dma_semaphore, #tpu.memory_space<semaphore_mem>>
      %dma_wait3A_363 = tpu.memref_squeeze %dma_wait3A_362 : memref<1x!tpu.dma_semaphore, #tpu.memory_space<semaphore_mem>> -> memref<!tpu.dma_semaphore, #tpu.memory_space<semaphore_mem>>
      %dma_wait3A_364 = arith.constant 0 : i32
      %dma_wait3A_365 = tpu.memref_slice %arg5[%dma_wait3A_354, %dma_wait3A_364] : memref<8x200xi32, #tpu.memory_space<vmem>> -> memref<1x200xi32, #tpu.memory_space<vmem>>
      %dma_wait3A_366 = tpu.memref_squeeze %dma_wait3A_365 : memref<1x200xi32, #tpu.memory_space<vmem>> -> memref<200xi32, #tpu.memory_space<vmem>>
      %dma_wait3A_367 = arith.constant 0 : i32
      %dma_wait3A_368 = tpu.memref_slice %arg2[%add3A_353, %dma_wait3A_367] : memref<4096x200xi32, #tpu.memory_space<hbm>> -> memref<1x200xi32, #tpu.memory_space<hbm>>
      %dma_wait3A_369 = tpu.memref_squeeze %dma_wait3A_368 : memref<1x200xi32, #tpu.memory_space<hbm>> -> memref<200xi32, #tpu.memory_space<hbm>>
      tpu.wait_dma2 semaphore(%dma_wait3A_363 : memref<!tpu.dma_semaphore, #tpu.memory_space<semaphore_mem>>) src(%dma_wait3A_369 : memref<200xi32, #tpu.memory_space<hbm>>) dst(%dma_wait3A_366 : memref<200xi32, #tpu.memory_space<vmem>>)
      %dma_start3A_370 = arith.constant 6 : i32
      %dma_start3A_371 = arith.constant 6 : i32
      %dma_start3A_372 = arith.constant 6 : i32
      %dma_start3A_373 = arith.constant 0 : i32
      %dma_start3A_374 = arith.constant 0 : i32
      %dma_start3A_375 = tpu.memref_slice %arg6[%dma_start3A_371, %dma_start3A_373, %dma_start3A_374] : memref<8x200x64xf32, #tpu.memory_space<vmem>> -> memref<1x200x64xf32, #tpu.memory_space<vmem>>
      %dma_start3A_376 = tpu.memref_squeeze %dma_start3A_375 : memref<1x200x64xf32, #tpu.memory_space<vmem>> -> memref<200x64xf32, #tpu.memory_space<vmem>>
      %dma_start3A_377 = arith.constant 0 : i32
      %dma_start3A_378 = tpu.memref_slice %arg5[%dma_start3A_370, %dma_start3A_377] : memref<8x200xi32, #tpu.memory_space<vmem>> -> memref<1x200xi32, #tpu.memory_space<vmem>>
      %dma_start3A_379 = tpu.memref_squeeze %dma_start3A_378 : memref<1x200xi32, #tpu.memory_space<vmem>> -> memref<200xi32, #tpu.memory_space<vmem>>
      %dma_start3A_380 = arith.constant 0 : i32
      %dma_start3A_381 = arith.constant 0 : i32
      %dma_start3A_382 = tpu.memref_slice %arg3[%dma_start3A_380, %dma_start3A_381] : memref<1000000x64xf32, #tpu.memory_space<hbm>> -> memref<1000000x64xf32, #tpu.memory_space<hbm>>
      %dma_start3A_383 = tpu.memref_slice %arg8[%dma_start3A_372] : memref<8x!tpu.dma_semaphore, #tpu.memory_space<semaphore_mem>> -> memref<1x!tpu.dma_semaphore, #tpu.memory_space<semaphore_mem>>
      %dma_start3A_384 = tpu.memref_squeeze %dma_start3A_383 : memref<1x!tpu.dma_semaphore, #tpu.memory_space<semaphore_mem>> -> memref<!tpu.dma_semaphore, #tpu.memory_space<semaphore_mem>>
      tpu.enqueue_indirect_dma source(%dma_start3A_382 : memref<1000000x64xf32, #tpu.memory_space<hbm>>) target(%dma_start3A_376 : memref<200x64xf32, #tpu.memory_space<vmem>>) offsets(%dma_start3A_379 : memref<200xi32, #tpu.memory_space<vmem>>) semaphore(%dma_start3A_384 : memref<!tpu.dma_semaphore, #tpu.memory_space<semaphore_mem>>)
      %add3A_385 = arith.constant 7 : i32
      %add3A_386 = arith.addi %add3A_11, %add3A_385 : i32
      %dma_wait3A_387 = arith.constant 7 : i32
      %dma_wait3A_388 = arith.constant 7 : i32
      %dma_wait3A_389 = arith.constant 0 : i32
      %dma_wait3A_390 = tpu.memref_slice %arg5[%dma_wait3A_387, %dma_wait3A_389] : memref<8x200xi32, #tpu.memory_space<vmem>> -> memref<1x200xi32, #tpu.memory_space<vmem>>
      %dma_wait3A_391 = tpu.memref_squeeze %dma_wait3A_390 : memref<1x200xi32, #tpu.memory_space<vmem>> -> memref<200xi32, #tpu.memory_space<vmem>>
      %dma_wait3A_392 = arith.constant 0 : i32
      %dma_wait3A_393 = tpu.memref_slice %arg2[%add3A_386, %dma_wait3A_392] : memref<4096x200xi32, #tpu.memory_space<hbm>> -> memref<1x200xi32, #tpu.memory_space<hbm>>
      %dma_wait3A_394 = tpu.memref_squeeze %dma_wait3A_393 : memref<1x200xi32, #tpu.memory_space<hbm>> -> memref<200xi32, #tpu.memory_space<hbm>>
      %dma_wait3A_395 = tpu.memref_slice %arg7[%dma_wait3A_388] : memref<8x!tpu.dma_semaphore, #tpu.memory_space<semaphore_mem>> -> memref<1x!tpu.dma_semaphore, #tpu.memory_space<semaphore_mem>>
      %dma_wait3A_396 = tpu.memref_squeeze %dma_wait3A_395 : memref<1x!tpu.dma_semaphore, #tpu.memory_space<semaphore_mem>> -> memref<!tpu.dma_semaphore, #tpu.memory_space<semaphore_mem>>
      %dma_wait3A_397 = arith.constant 0 : i32
      %dma_wait3A_398 = tpu.memref_slice %arg5[%dma_wait3A_387, %dma_wait3A_397] : memref<8x200xi32, #tpu.memory_space<vmem>> -> memref<1x200xi32, #tpu.memory_space<vmem>>
      %dma_wait3A_399 = tpu.memref_squeeze %dma_wait3A_398 : memref<1x200xi32, #tpu.memory_space<vmem>> -> memref<200xi32, #tpu.memory_space<vmem>>
      %dma_wait3A_400 = arith.constant 0 : i32
      %dma_wait3A_401 = tpu.memref_slice %arg2[%add3A_386, %dma_wait3A_400] : memref<4096x200xi32, #tpu.memory_space<hbm>> -> memref<1x200xi32, #tpu.memory_space<hbm>>
      %dma_wait3A_402 = tpu.memref_squeeze %dma_wait3A_401 : memref<1x200xi32, #tpu.memory_space<hbm>> -> memref<200xi32, #tpu.memory_space<hbm>>
      tpu.wait_dma2 semaphore(%dma_wait3A_396 : memref<!tpu.dma_semaphore, #tpu.memory_space<semaphore_mem>>) src(%dma_wait3A_402 : memref<200xi32, #tpu.memory_space<hbm>>) dst(%dma_wait3A_399 : memref<200xi32, #tpu.memory_space<vmem>>)
      %dma_start3A_403 = arith.constant 7 : i32
      %dma_start3A_404 = arith.constant 7 : i32
      %dma_start3A_405 = arith.constant 7 : i32
      %dma_start3A_406 = arith.constant 0 : i32
      %dma_start3A_407 = arith.constant 0 : i32
      %dma_start3A_408 = tpu.memref_slice %arg6[%dma_start3A_404, %dma_start3A_406, %dma_start3A_407] : memref<8x200x64xf32, #tpu.memory_space<vmem>> -> memref<1x200x64xf32, #tpu.memory_space<vmem>>
      %dma_start3A_409 = tpu.memref_squeeze %dma_start3A_408 : memref<1x200x64xf32, #tpu.memory_space<vmem>> -> memref<200x64xf32, #tpu.memory_space<vmem>>
      %dma_start3A_410 = arith.constant 0 : i32
      %dma_start3A_411 = tpu.memref_slice %arg5[%dma_start3A_403, %dma_start3A_410] : memref<8x200xi32, #tpu.memory_space<vmem>> -> memref<1x200xi32, #tpu.memory_space<vmem>>
      %dma_start3A_412 = tpu.memref_squeeze %dma_start3A_411 : memref<1x200xi32, #tpu.memory_space<vmem>> -> memref<200xi32, #tpu.memory_space<vmem>>
      %dma_start3A_413 = arith.constant 0 : i32
      %dma_start3A_414 = arith.constant 0 : i32
      %dma_start3A_415 = tpu.memref_slice %arg3[%dma_start3A_413, %dma_start3A_414] : memref<1000000x64xf32, #tpu.memory_space<hbm>> -> memref<1000000x64xf32, #tpu.memory_space<hbm>>
      %dma_start3A_416 = tpu.memref_slice %arg8[%dma_start3A_405] : memref<8x!tpu.dma_semaphore, #tpu.memory_space<semaphore_mem>> -> memref<1x!tpu.dma_semaphore, #tpu.memory_space<semaphore_mem>>
      %dma_start3A_417 = tpu.memref_squeeze %dma_start3A_416 : memref<1x!tpu.dma_semaphore, #tpu.memory_space<semaphore_mem>> -> memref<!tpu.dma_semaphore, #tpu.memory_space<semaphore_mem>>
      tpu.enqueue_indirect_dma source(%dma_start3A_415 : memref<1000000x64xf32, #tpu.memory_space<hbm>>) target(%dma_start3A_409 : memref<200x64xf32, #tpu.memory_space<vmem>>) offsets(%dma_start3A_412 : memref<200xi32, #tpu.memory_space<vmem>>) semaphore(%dma_start3A_417 : memref<!tpu.dma_semaphore, #tpu.memory_space<semaphore_mem>>)
      %dma_wait3A_418 = arith.constant 0 : i32
      %dma_wait3A_419 = arith.constant 0 : i32
      %dma_wait3A_420 = arith.constant 0 : i32
      %dma_wait3A_421 = arith.constant 0 : i32
      %dma_wait3A_422 = arith.constant 0 : i32
      %dma_wait3A_423 = tpu.memref_slice %arg6[%dma_wait3A_419, %dma_wait3A_421, %dma_wait3A_422] : memref<8x200x64xf32, #tpu.memory_space<vmem>> -> memref<1x200x64xf32, #tpu.memory_space<vmem>>
      %dma_wait3A_424 = tpu.memref_squeeze %dma_wait3A_423 : memref<1x200x64xf32, #tpu.memory_space<vmem>> -> memref<200x64xf32, #tpu.memory_space<vmem>>
      %dma_wait3A_425 = arith.constant 0 : i32
      %dma_wait3A_426 = tpu.memref_slice %arg5[%dma_wait3A_418, %dma_wait3A_425] : memref<8x200xi32, #tpu.memory_space<vmem>> -> memref<1x200xi32, #tpu.memory_space<vmem>>
      %dma_wait3A_427 = tpu.memref_squeeze %dma_wait3A_426 : memref<1x200xi32, #tpu.memory_space<vmem>> -> memref<200xi32, #tpu.memory_space<vmem>>
      %dma_wait3A_428 = arith.constant 0 : i32
      %dma_wait3A_429 = arith.constant 0 : i32
      %dma_wait3A_430 = tpu.memref_slice %arg3[%dma_wait3A_428, %dma_wait3A_429] : memref<1000000x64xf32, #tpu.memory_space<hbm>> -> memref<1000000x64xf32, #tpu.memory_space<hbm>>
      %dma_wait3A_431 = tpu.memref_slice %arg8[%dma_wait3A_420] : memref<8x!tpu.dma_semaphore, #tpu.memory_space<semaphore_mem>> -> memref<1x!tpu.dma_semaphore, #tpu.memory_space<semaphore_mem>>
      %dma_wait3A_432 = tpu.memref_squeeze %dma_wait3A_431 : memref<1x!tpu.dma_semaphore, #tpu.memory_space<semaphore_mem>> -> memref<!tpu.dma_semaphore, #tpu.memory_space<semaphore_mem>>
      tpu.wait_indirect_dma semaphore(%dma_wait3A_432 : memref<!tpu.dma_semaphore, #tpu.memory_space<semaphore_mem>>) src(%dma_wait3A_430 : memref<1000000x64xf32, #tpu.memory_space<hbm>>) dst(%dma_wait3A_424 : memref<200x64xf32, #tpu.memory_space<vmem>>)
      %add3A_433 = arith.constant 0 : i32
      %add3A_434 = arith.addi %add3A_11, %add3A_433 : i32
      %mul3A_435 = arith.constant 200 : i32
      %mul3A_436 = arith.muli %add3A_434, %mul3A_435 : i32
      %dma_start3A_437 = arith.constant 0 : i32
      %dma_start3A_438 = arith.constant 0 : i32
      %dma_start3A_439 = arith.constant 0 : i32
      %dma_start3A_440 = arith.constant 0 : i32
      %dma_start3A_441 = arith.constant 0 : i32
      %dma_start3A_442 = tpu.memref_slice %arg6[%dma_start3A_437, %dma_start3A_440, %dma_start3A_441] : memref<8x200x64xf32, #tpu.memory_space<vmem>> -> memref<1x200x64xf32, #tpu.memory_space<vmem>>
      %dma_start3A_443 = tpu.memref_squeeze %dma_start3A_442 : memref<1x200x64xf32, #tpu.memory_space<vmem>> -> memref<200x64xf32, #tpu.memory_space<vmem>>
      %dma_start3A_444 = arith.constant 0 : i32
      %dma_start3A_445 = tpu.memref_slice %arg4[%mul3A_436, %dma_start3A_438, %dma_start3A_444] : memref<819200x2x64xf32, #tpu.memory_space<hbm>> -> memref<200x1x64xf32, #tpu.memory_space<hbm>>
      %dma_start3A_446 = tpu.memref_squeeze %dma_start3A_445 : memref<200x1x64xf32, #tpu.memory_space<hbm>> -> memref<200x64xf32, #tpu.memory_space<hbm>>
      %dma_start3A_447 = tpu.memref_slice %arg9[%dma_start3A_439] : memref<8x!tpu.dma_semaphore, #tpu.memory_space<semaphore_mem>> -> memref<1x!tpu.dma_semaphore, #tpu.memory_space<semaphore_mem>>
      %dma_start3A_448 = tpu.memref_squeeze %dma_start3A_447 : memref<1x!tpu.dma_semaphore, #tpu.memory_space<semaphore_mem>> -> memref<!tpu.dma_semaphore, #tpu.memory_space<semaphore_mem>>
      %dma_start3A_449 = arith.constant 0 : i32
      %dma_start3A_450 = tpu.memref_slice %arg4[%mul3A_436, %dma_start3A_438, %dma_start3A_449] : memref<819200x2x64xf32, #tpu.memory_space<hbm>> -> memref<200x1x64xf32, #tpu.memory_space<hbm>>
      %dma_start3A_451 = tpu.memref_squeeze %dma_start3A_450 : memref<200x1x64xf32, #tpu.memory_space<hbm>> -> memref<200x64xf32, #tpu.memory_space<hbm>>
      %dma_start3A_452 = arith.constant 0 : i32
      %dma_start3A_453 = arith.constant 0 : i32
      %dma_start3A_454 = tpu.memref_slice %arg6[%dma_start3A_437, %dma_start3A_452, %dma_start3A_453] : memref<8x200x64xf32, #tpu.memory_space<vmem>> -> memref<1x200x64xf32, #tpu.memory_space<vmem>>
      %dma_start3A_455 = tpu.memref_squeeze %dma_start3A_454 : memref<1x200x64xf32, #tpu.memory_space<vmem>> -> memref<200x64xf32, #tpu.memory_space<vmem>>
      tpu.enqueue_dma source(%dma_start3A_455 : memref<200x64xf32, #tpu.memory_space<vmem>>) target(%dma_start3A_451 : memref<200x64xf32, #tpu.memory_space<hbm>>) target_semaphore(%dma_start3A_448 : memref<!tpu.dma_semaphore, #tpu.memory_space<semaphore_mem>>)
      %dma_wait3A_456 = arith.constant 1 : i32
      %dma_wait3A_457 = arith.constant 1 : i32
      %dma_wait3A_458 = arith.constant 1 : i32
      %dma_wait3A_459 = arith.constant 0 : i32
      %dma_wait3A_460 = arith.constant 0 : i32
      %dma_wait3A_461 = tpu.memref_slice %arg6[%dma_wait3A_457, %dma_wait3A_459, %dma_wait3A_460] : memref<8x200x64xf32, #tpu.memory_space<vmem>> -> memref<1x200x64xf32, #tpu.memory_space<vmem>>
      %dma_wait3A_462 = tpu.memref_squeeze %dma_wait3A_461 : memref<1x200x64xf32, #tpu.memory_space<vmem>> -> memref<200x64xf32, #tpu.memory_space<vmem>>
      %dma_wait3A_463 = arith.constant 0 : i32
      %dma_wait3A_464 = tpu.memref_slice %arg5[%dma_wait3A_456, %dma_wait3A_463] : memref<8x200xi32, #tpu.memory_space<vmem>> -> memref<1x200xi32, #tpu.memory_space<vmem>>
      %dma_wait3A_465 = tpu.memref_squeeze %dma_wait3A_464 : memref<1x200xi32, #tpu.memory_space<vmem>> -> memref<200xi32, #tpu.memory_space<vmem>>
      %dma_wait3A_466 = arith.constant 0 : i32
      %dma_wait3A_467 = arith.constant 0 : i32
      %dma_wait3A_468 = tpu.memref_slice %arg3[%dma_wait3A_466, %dma_wait3A_467] : memref<1000000x64xf32, #tpu.memory_space<hbm>> -> memref<1000000x64xf32, #tpu.memory_space<hbm>>
      %dma_wait3A_469 = tpu.memref_slice %arg8[%dma_wait3A_458] : memref<8x!tpu.dma_semaphore, #tpu.memory_space<semaphore_mem>> -> memref<1x!tpu.dma_semaphore, #tpu.memory_space<semaphore_mem>>
      %dma_wait3A_470 = tpu.memref_squeeze %dma_wait3A_469 : memref<1x!tpu.dma_semaphore, #tpu.memory_space<semaphore_mem>> -> memref<!tpu.dma_semaphore, #tpu.memory_space<semaphore_mem>>
      tpu.wait_indirect_dma semaphore(%dma_wait3A_470 : memref<!tpu.dma_semaphore, #tpu.memory_space<semaphore_mem>>) src(%dma_wait3A_468 : memref<1000000x64xf32, #tpu.memory_space<hbm>>) dst(%dma_wait3A_462 : memref<200x64xf32, #tpu.memory_space<vmem>>)
      %add3A_471 = arith.constant 1 : i32
      %add3A_472 = arith.addi %add3A_11, %add3A_471 : i32
      %mul3A_473 = arith.constant 200 : i32
      %mul3A_474 = arith.muli %add3A_472, %mul3A_473 : i32
      %dma_start3A_475 = arith.constant 1 : i32
      %dma_start3A_476 = arith.constant 0 : i32
      %dma_start3A_477 = arith.constant 1 : i32
      %dma_start3A_478 = arith.constant 0 : i32
      %dma_start3A_479 = arith.constant 0 : i32
      %dma_start3A_480 = tpu.memref_slice %arg6[%dma_start3A_475, %dma_start3A_478, %dma_start3A_479] : memref<8x200x64xf32, #tpu.memory_space<vmem>> -> memref<1x200x64xf32, #tpu.memory_space<vmem>>
      %dma_start3A_481 = tpu.memref_squeeze %dma_start3A_480 : memref<1x200x64xf32, #tpu.memory_space<vmem>> -> memref<200x64xf32, #tpu.memory_space<vmem>>
      %dma_start3A_482 = arith.constant 0 : i32
      %dma_start3A_483 = tpu.memref_slice %arg4[%mul3A_474, %dma_start3A_476, %dma_start3A_482] : memref<819200x2x64xf32, #tpu.memory_space<hbm>> -> memref<200x1x64xf32, #tpu.memory_space<hbm>>
      %dma_start3A_484 = tpu.memref_squeeze %dma_start3A_483 : memref<200x1x64xf32, #tpu.memory_space<hbm>> -> memref<200x64xf32, #tpu.memory_space<hbm>>
      %dma_start3A_485 = tpu.memref_slice %arg9[%dma_start3A_477] : memref<8x!tpu.dma_semaphore, #tpu.memory_space<semaphore_mem>> -> memref<1x!tpu.dma_semaphore, #tpu.memory_space<semaphore_mem>>
      %dma_start3A_486 = tpu.memref_squeeze %dma_start3A_485 : memref<1x!tpu.dma_semaphore, #tpu.memory_space<semaphore_mem>> -> memref<!tpu.dma_semaphore, #tpu.memory_space<semaphore_mem>>
      %dma_start3A_487 = arith.constant 0 : i32
      %dma_start3A_488 = tpu.memref_slice %arg4[%mul3A_474, %dma_start3A_476, %dma_start3A_487] : memref<819200x2x64xf32, #tpu.memory_space<hbm>> -> memref<200x1x64xf32, #tpu.memory_space<hbm>>
      %dma_start3A_489 = tpu.memref_squeeze %dma_start3A_488 : memref<200x1x64xf32, #tpu.memory_space<hbm>> -> memref<200x64xf32, #tpu.memory_space<hbm>>
      %dma_start3A_490 = arith.constant 0 : i32
      %dma_start3A_491 = arith.constant 0 : i32
      %dma_start3A_492 = tpu.memref_slice %arg6[%dma_start3A_475, %dma_start3A_490, %dma_start3A_491] : memref<8x200x64xf32, #tpu.memory_space<vmem>> -> memref<1x200x64xf32, #tpu.memory_space<vmem>>
      %dma_start3A_493 = tpu.memref_squeeze %dma_start3A_492 : memref<1x200x64xf32, #tpu.memory_space<vmem>> -> memref<200x64xf32, #tpu.memory_space<vmem>>
      tpu.enqueue_dma source(%dma_start3A_493 : memref<200x64xf32, #tpu.memory_space<vmem>>) target(%dma_start3A_489 : memref<200x64xf32, #tpu.memory_space<hbm>>) target_semaphore(%dma_start3A_486 : memref<!tpu.dma_semaphore, #tpu.memory_space<semaphore_mem>>)
      %dma_wait3A_494 = arith.constant 2 : i32
      %dma_wait3A_495 = arith.constant 2 : i32
      %dma_wait3A_496 = arith.constant 2 : i32
      %dma_wait3A_497 = arith.constant 0 : i32
      %dma_wait3A_498 = arith.constant 0 : i32
      %dma_wait3A_499 = tpu.memref_slice %arg6[%dma_wait3A_495, %dma_wait3A_497, %dma_wait3A_498] : memref<8x200x64xf32, #tpu.memory_space<vmem>> -> memref<1x200x64xf32, #tpu.memory_space<vmem>>
      %dma_wait3A_500 = tpu.memref_squeeze %dma_wait3A_499 : memref<1x200x64xf32, #tpu.memory_space<vmem>> -> memref<200x64xf32, #tpu.memory_space<vmem>>
      %dma_wait3A_501 = arith.constant 0 : i32
      %dma_wait3A_502 = tpu.memref_slice %arg5[%dma_wait3A_494, %dma_wait3A_501] : memref<8x200xi32, #tpu.memory_space<vmem>> -> memref<1x200xi32, #tpu.memory_space<vmem>>
      %dma_wait3A_503 = tpu.memref_squeeze %dma_wait3A_502 : memref<1x200xi32, #tpu.memory_space<vmem>> -> memref<200xi32, #tpu.memory_space<vmem>>
      %dma_wait3A_504 = arith.constant 0 : i32
      %dma_wait3A_505 = arith.constant 0 : i32
      %dma_wait3A_506 = tpu.memref_slice %arg3[%dma_wait3A_504, %dma_wait3A_505] : memref<1000000x64xf32, #tpu.memory_space<hbm>> -> memref<1000000x64xf32, #tpu.memory_space<hbm>>
      %dma_wait3A_507 = tpu.memref_slice %arg8[%dma_wait3A_496] : memref<8x!tpu.dma_semaphore, #tpu.memory_space<semaphore_mem>> -> memref<1x!tpu.dma_semaphore, #tpu.memory_space<semaphore_mem>>
      %dma_wait3A_508 = tpu.memref_squeeze %dma_wait3A_507 : memref<1x!tpu.dma_semaphore, #tpu.memory_space<semaphore_mem>> -> memref<!tpu.dma_semaphore, #tpu.memory_space<semaphore_mem>>
      tpu.wait_indirect_dma semaphore(%dma_wait3A_508 : memref<!tpu.dma_semaphore, #tpu.memory_space<semaphore_mem>>) src(%dma_wait3A_506 : memref<1000000x64xf32, #tpu.memory_space<hbm>>) dst(%dma_wait3A_500 : memref<200x64xf32, #tpu.memory_space<vmem>>)
      %add3A_509 = arith.constant 2 : i32
      %add3A_510 = arith.addi %add3A_11, %add3A_509 : i32
      %mul3A_511 = arith.constant 200 : i32
      %mul3A_512 = arith.muli %add3A_510, %mul3A_511 : i32
      %dma_start3A_513 = arith.constant 2 : i32
      %dma_start3A_514 = arith.constant 0 : i32
      %dma_start3A_515 = arith.constant 2 : i32
      %dma_start3A_516 = arith.constant 0 : i32
      %dma_start3A_517 = arith.constant 0 : i32
      %dma_start3A_518 = tpu.memref_slice %arg6[%dma_start3A_513, %dma_start3A_516, %dma_start3A_517] : memref<8x200x64xf32, #tpu.memory_space<vmem>> -> memref<1x200x64xf32, #tpu.memory_space<vmem>>
      %dma_start3A_519 = tpu.memref_squeeze %dma_start3A_518 : memref<1x200x64xf32, #tpu.memory_space<vmem>> -> memref<200x64xf32, #tpu.memory_space<vmem>>
      %dma_start3A_520 = arith.constant 0 : i32
      %dma_start3A_521 = tpu.memref_slice %arg4[%mul3A_512, %dma_start3A_514, %dma_start3A_520] : memref<819200x2x64xf32, #tpu.memory_space<hbm>> -> memref<200x1x64xf32, #tpu.memory_space<hbm>>
      %dma_start3A_522 = tpu.memref_squeeze %dma_start3A_521 : memref<200x1x64xf32, #tpu.memory_space<hbm>> -> memref<200x64xf32, #tpu.memory_space<hbm>>
      %dma_start3A_523 = tpu.memref_slice %arg9[%dma_start3A_515] : memref<8x!tpu.dma_semaphore, #tpu.memory_space<semaphore_mem>> -> memref<1x!tpu.dma_semaphore, #tpu.memory_space<semaphore_mem>>
      %dma_start3A_524 = tpu.memref_squeeze %dma_start3A_523 : memref<1x!tpu.dma_semaphore, #tpu.memory_space<semaphore_mem>> -> memref<!tpu.dma_semaphore, #tpu.memory_space<semaphore_mem>>
      %dma_start3A_525 = arith.constant 0 : i32
      %dma_start3A_526 = tpu.memref_slice %arg4[%mul3A_512, %dma_start3A_514, %dma_start3A_525] : memref<819200x2x64xf32, #tpu.memory_space<hbm>> -> memref<200x1x64xf32, #tpu.memory_space<hbm>>
      %dma_start3A_527 = tpu.memref_squeeze %dma_start3A_526 : memref<200x1x64xf32, #tpu.memory_space<hbm>> -> memref<200x64xf32, #tpu.memory_space<hbm>>
      %dma_start3A_528 = arith.constant 0 : i32
      %dma_start3A_529 = arith.constant 0 : i32
      %dma_start3A_530 = tpu.memref_slice %arg6[%dma_start3A_513, %dma_start3A_528, %dma_start3A_529] : memref<8x200x64xf32, #tpu.memory_space<vmem>> -> memref<1x200x64xf32, #tpu.memory_space<vmem>>
      %dma_start3A_531 = tpu.memref_squeeze %dma_start3A_530 : memref<1x200x64xf32, #tpu.memory_space<vmem>> -> memref<200x64xf32, #tpu.memory_space<vmem>>
      tpu.enqueue_dma source(%dma_start3A_531 : memref<200x64xf32, #tpu.memory_space<vmem>>) target(%dma_start3A_527 : memref<200x64xf32, #tpu.memory_space<hbm>>) target_semaphore(%dma_start3A_524 : memref<!tpu.dma_semaphore, #tpu.memory_space<semaphore_mem>>)
      %dma_wait3A_532 = arith.constant 3 : i32
      %dma_wait3A_533 = arith.constant 3 : i32
      %dma_wait3A_534 = arith.constant 3 : i32
      %dma_wait3A_535 = arith.constant 0 : i32
      %dma_wait3A_536 = arith.constant 0 : i32
      %dma_wait3A_537 = tpu.memref_slice %arg6[%dma_wait3A_533, %dma_wait3A_535, %dma_wait3A_536] : memref<8x200x64xf32, #tpu.memory_space<vmem>> -> memref<1x200x64xf32, #tpu.memory_space<vmem>>
      %dma_wait3A_538 = tpu.memref_squeeze %dma_wait3A_537 : memref<1x200x64xf32, #tpu.memory_space<vmem>> -> memref<200x64xf32, #tpu.memory_space<vmem>>
      %dma_wait3A_539 = arith.constant 0 : i32
      %dma_wait3A_540 = tpu.memref_slice %arg5[%dma_wait3A_532, %dma_wait3A_539] : memref<8x200xi32, #tpu.memory_space<vmem>> -> memref<1x200xi32, #tpu.memory_space<vmem>>
      %dma_wait3A_541 = tpu.memref_squeeze %dma_wait3A_540 : memref<1x200xi32, #tpu.memory_space<vmem>> -> memref<200xi32, #tpu.memory_space<vmem>>
      %dma_wait3A_542 = arith.constant 0 : i32
      %dma_wait3A_543 = arith.constant 0 : i32
      %dma_wait3A_544 = tpu.memref_slice %arg3[%dma_wait3A_542, %dma_wait3A_543] : memref<1000000x64xf32, #tpu.memory_space<hbm>> -> memref<1000000x64xf32, #tpu.memory_space<hbm>>
      %dma_wait3A_545 = tpu.memref_slice %arg8[%dma_wait3A_534] : memref<8x!tpu.dma_semaphore, #tpu.memory_space<semaphore_mem>> -> memref<1x!tpu.dma_semaphore, #tpu.memory_space<semaphore_mem>>
      %dma_wait3A_546 = tpu.memref_squeeze %dma_wait3A_545 : memref<1x!tpu.dma_semaphore, #tpu.memory_space<semaphore_mem>> -> memref<!tpu.dma_semaphore, #tpu.memory_space<semaphore_mem>>
      tpu.wait_indirect_dma semaphore(%dma_wait3A_546 : memref<!tpu.dma_semaphore, #tpu.memory_space<semaphore_mem>>) src(%dma_wait3A_544 : memref<1000000x64xf32, #tpu.memory_space<hbm>>) dst(%dma_wait3A_538 : memref<200x64xf32, #tpu.memory_space<vmem>>)
      %add3A_547 = arith.constant 3 : i32
      %add3A_548 = arith.addi %add3A_11, %add3A_547 : i32
      %mul3A_549 = arith.constant 200 : i32
      %mul3A_550 = arith.muli %add3A_548, %mul3A_549 : i32
      %dma_start3A_551 = arith.constant 3 : i32
      %dma_start3A_552 = arith.constant 0 : i32
      %dma_start3A_553 = arith.constant 3 : i32
      %dma_start3A_554 = arith.constant 0 : i32
      %dma_start3A_555 = arith.constant 0 : i32
      %dma_start3A_556 = tpu.memref_slice %arg6[%dma_start3A_551, %dma_start3A_554, %dma_start3A_555] : memref<8x200x64xf32, #tpu.memory_space<vmem>> -> memref<1x200x64xf32, #tpu.memory_space<vmem>>
      %dma_start3A_557 = tpu.memref_squeeze %dma_start3A_556 : memref<1x200x64xf32, #tpu.memory_space<vmem>> -> memref<200x64xf32, #tpu.memory_space<vmem>>
      %dma_start3A_558 = arith.constant 0 : i32
      %dma_start3A_559 = tpu.memref_slice %arg4[%mul3A_550, %dma_start3A_552, %dma_start3A_558] : memref<819200x2x64xf32, #tpu.memory_space<hbm>> -> memref<200x1x64xf32, #tpu.memory_space<hbm>>
      %dma_start3A_560 = tpu.memref_squeeze %dma_start3A_559 : memref<200x1x64xf32, #tpu.memory_space<hbm>> -> memref<200x64xf32, #tpu.memory_space<hbm>>
      %dma_start3A_561 = tpu.memref_slice %arg9[%dma_start3A_553] : memref<8x!tpu.dma_semaphore, #tpu.memory_space<semaphore_mem>> -> memref<1x!tpu.dma_semaphore, #tpu.memory_space<semaphore_mem>>
      %dma_start3A_562 = tpu.memref_squeeze %dma_start3A_561 : memref<1x!tpu.dma_semaphore, #tpu.memory_space<semaphore_mem>> -> memref<!tpu.dma_semaphore, #tpu.memory_space<semaphore_mem>>
      %dma_start3A_563 = arith.constant 0 : i32
      %dma_start3A_564 = tpu.memref_slice %arg4[%mul3A_550, %dma_start3A_552, %dma_start3A_563] : memref<819200x2x64xf32, #tpu.memory_space<hbm>> -> memref<200x1x64xf32, #tpu.memory_space<hbm>>
      %dma_start3A_565 = tpu.memref_squeeze %dma_start3A_564 : memref<200x1x64xf32, #tpu.memory_space<hbm>> -> memref<200x64xf32, #tpu.memory_space<hbm>>
      %dma_start3A_566 = arith.constant 0 : i32
      %dma_start3A_567 = arith.constant 0 : i32
      %dma_start3A_568 = tpu.memref_slice %arg6[%dma_start3A_551, %dma_start3A_566, %dma_start3A_567] : memref<8x200x64xf32, #tpu.memory_space<vmem>> -> memref<1x200x64xf32, #tpu.memory_space<vmem>>
      %dma_start3A_569 = tpu.memref_squeeze %dma_start3A_568 : memref<1x200x64xf32, #tpu.memory_space<vmem>> -> memref<200x64xf32, #tpu.memory_space<vmem>>
      tpu.enqueue_dma source(%dma_start3A_569 : memref<200x64xf32, #tpu.memory_space<vmem>>) target(%dma_start3A_565 : memref<200x64xf32, #tpu.memory_space<hbm>>) target_semaphore(%dma_start3A_562 : memref<!tpu.dma_semaphore, #tpu.memory_space<semaphore_mem>>)
      %dma_wait3A_570 = arith.constant 4 : i32
      %dma_wait3A_571 = arith.constant 4 : i32
      %dma_wait3A_572 = arith.constant 4 : i32
      %dma_wait3A_573 = arith.constant 0 : i32
      %dma_wait3A_574 = arith.constant 0 : i32
      %dma_wait3A_575 = tpu.memref_slice %arg6[%dma_wait3A_571, %dma_wait3A_573, %dma_wait3A_574] : memref<8x200x64xf32, #tpu.memory_space<vmem>> -> memref<1x200x64xf32, #tpu.memory_space<vmem>>
      %dma_wait3A_576 = tpu.memref_squeeze %dma_wait3A_575 : memref<1x200x64xf32, #tpu.memory_space<vmem>> -> memref<200x64xf32, #tpu.memory_space<vmem>>
      %dma_wait3A_577 = arith.constant 0 : i32
      %dma_wait3A_578 = tpu.memref_slice %arg5[%dma_wait3A_570, %dma_wait3A_577] : memref<8x200xi32, #tpu.memory_space<vmem>> -> memref<1x200xi32, #tpu.memory_space<vmem>>
      %dma_wait3A_579 = tpu.memref_squeeze %dma_wait3A_578 : memref<1x200xi32, #tpu.memory_space<vmem>> -> memref<200xi32, #tpu.memory_space<vmem>>
      %dma_wait3A_580 = arith.constant 0 : i32
      %dma_wait3A_581 = arith.constant 0 : i32
      %dma_wait3A_582 = tpu.memref_slice %arg3[%dma_wait3A_580, %dma_wait3A_581] : memref<1000000x64xf32, #tpu.memory_space<hbm>> -> memref<1000000x64xf32, #tpu.memory_space<hbm>>
      %dma_wait3A_583 = tpu.memref_slice %arg8[%dma_wait3A_572] : memref<8x!tpu.dma_semaphore, #tpu.memory_space<semaphore_mem>> -> memref<1x!tpu.dma_semaphore, #tpu.memory_space<semaphore_mem>>
      %dma_wait3A_584 = tpu.memref_squeeze %dma_wait3A_583 : memref<1x!tpu.dma_semaphore, #tpu.memory_space<semaphore_mem>> -> memref<!tpu.dma_semaphore, #tpu.memory_space<semaphore_mem>>
      tpu.wait_indirect_dma semaphore(%dma_wait3A_584 : memref<!tpu.dma_semaphore, #tpu.memory_space<semaphore_mem>>) src(%dma_wait3A_582 : memref<1000000x64xf32, #tpu.memory_space<hbm>>) dst(%dma_wait3A_576 : memref<200x64xf32, #tpu.memory_space<vmem>>)
      %add3A_585 = arith.constant 4 : i32
      %add3A_586 = arith.addi %add3A_11, %add3A_585 : i32
      %mul3A_587 = arith.constant 200 : i32
      %mul3A_588 = arith.muli %add3A_586, %mul3A_587 : i32
      %dma_start3A_589 = arith.constant 4 : i32
      %dma_start3A_590 = arith.constant 0 : i32
      %dma_start3A_591 = arith.constant 4 : i32
      %dma_start3A_592 = arith.constant 0 : i32
      %dma_start3A_593 = arith.constant 0 : i32
      %dma_start3A_594 = tpu.memref_slice %arg6[%dma_start3A_589, %dma_start3A_592, %dma_start3A_593] : memref<8x200x64xf32, #tpu.memory_space<vmem>> -> memref<1x200x64xf32, #tpu.memory_space<vmem>>
      %dma_start3A_595 = tpu.memref_squeeze %dma_start3A_594 : memref<1x200x64xf32, #tpu.memory_space<vmem>> -> memref<200x64xf32, #tpu.memory_space<vmem>>
      %dma_start3A_596 = arith.constant 0 : i32
      %dma_start3A_597 = tpu.memref_slice %arg4[%mul3A_588, %dma_start3A_590, %dma_start3A_596] : memref<819200x2x64xf32, #tpu.memory_space<hbm>> -> memref<200x1x64xf32, #tpu.memory_space<hbm>>
      %dma_start3A_598 = tpu.memref_squeeze %dma_start3A_597 : memref<200x1x64xf32, #tpu.memory_space<hbm>> -> memref<200x64xf32, #tpu.memory_space<hbm>>
      %dma_start3A_599 = tpu.memref_slice %arg9[%dma_start3A_591] : memref<8x!tpu.dma_semaphore, #tpu.memory_space<semaphore_mem>> -> memref<1x!tpu.dma_semaphore, #tpu.memory_space<semaphore_mem>>
      %dma_start3A_600 = tpu.memref_squeeze %dma_start3A_599 : memref<1x!tpu.dma_semaphore, #tpu.memory_space<semaphore_mem>> -> memref<!tpu.dma_semaphore, #tpu.memory_space<semaphore_mem>>
      %dma_start3A_601 = arith.constant 0 : i32
      %dma_start3A_602 = tpu.memref_slice %arg4[%mul3A_588, %dma_start3A_590, %dma_start3A_601] : memref<819200x2x64xf32, #tpu.memory_space<hbm>> -> memref<200x1x64xf32, #tpu.memory_space<hbm>>
      %dma_start3A_603 = tpu.memref_squeeze %dma_start3A_602 : memref<200x1x64xf32, #tpu.memory_space<hbm>> -> memref<200x64xf32, #tpu.memory_space<hbm>>
      %dma_start3A_604 = arith.constant 0 : i32
      %dma_start3A_605 = arith.constant 0 : i32
      %dma_start3A_606 = tpu.memref_slice %arg6[%dma_start3A_589, %dma_start3A_604, %dma_start3A_605] : memref<8x200x64xf32, #tpu.memory_space<vmem>> -> memref<1x200x64xf32, #tpu.memory_space<vmem>>
      %dma_start3A_607 = tpu.memref_squeeze %dma_start3A_606 : memref<1x200x64xf32, #tpu.memory_space<vmem>> -> memref<200x64xf32, #tpu.memory_space<vmem>>
      tpu.enqueue_dma source(%dma_start3A_607 : memref<200x64xf32, #tpu.memory_space<vmem>>) target(%dma_start3A_603 : memref<200x64xf32, #tpu.memory_space<hbm>>) target_semaphore(%dma_start3A_600 : memref<!tpu.dma_semaphore, #tpu.memory_space<semaphore_mem>>)
      %dma_wait3A_608 = arith.constant 5 : i32
      %dma_wait3A_609 = arith.constant 5 : i32
      %dma_wait3A_610 = arith.constant 5 : i32
      %dma_wait3A_611 = arith.constant 0 : i32
      %dma_wait3A_612 = arith.constant 0 : i32
      %dma_wait3A_613 = tpu.memref_slice %arg6[%dma_wait3A_609, %dma_wait3A_611, %dma_wait3A_612] : memref<8x200x64xf32, #tpu.memory_space<vmem>> -> memref<1x200x64xf32, #tpu.memory_space<vmem>>
      %dma_wait3A_614 = tpu.memref_squeeze %dma_wait3A_613 : memref<1x200x64xf32, #tpu.memory_space<vmem>> -> memref<200x64xf32, #tpu.memory_space<vmem>>
      %dma_wait3A_615 = arith.constant 0 : i32
      %dma_wait3A_616 = tpu.memref_slice %arg5[%dma_wait3A_608, %dma_wait3A_615] : memref<8x200xi32, #tpu.memory_space<vmem>> -> memref<1x200xi32, #tpu.memory_space<vmem>>
      %dma_wait3A_617 = tpu.memref_squeeze %dma_wait3A_616 : memref<1x200xi32, #tpu.memory_space<vmem>> -> memref<200xi32, #tpu.memory_space<vmem>>
      %dma_wait3A_618 = arith.constant 0 : i32
      %dma_wait3A_619 = arith.constant 0 : i32
      %dma_wait3A_620 = tpu.memref_slice %arg3[%dma_wait3A_618, %dma_wait3A_619] : memref<1000000x64xf32, #tpu.memory_space<hbm>> -> memref<1000000x64xf32, #tpu.memory_space<hbm>>
      %dma_wait3A_621 = tpu.memref_slice %arg8[%dma_wait3A_610] : memref<8x!tpu.dma_semaphore, #tpu.memory_space<semaphore_mem>> -> memref<1x!tpu.dma_semaphore, #tpu.memory_space<semaphore_mem>>
      %dma_wait3A_622 = tpu.memref_squeeze %dma_wait3A_621 : memref<1x!tpu.dma_semaphore, #tpu.memory_space<semaphore_mem>> -> memref<!tpu.dma_semaphore, #tpu.memory_space<semaphore_mem>>
      tpu.wait_indirect_dma semaphore(%dma_wait3A_622 : memref<!tpu.dma_semaphore, #tpu.memory_space<semaphore_mem>>) src(%dma_wait3A_620 : memref<1000000x64xf32, #tpu.memory_space<hbm>>) dst(%dma_wait3A_614 : memref<200x64xf32, #tpu.memory_space<vmem>>)
      %add3A_623 = arith.constant 5 : i32
      %add3A_624 = arith.addi %add3A_11, %add3A_623 : i32
      %mul3A_625 = arith.constant 200 : i32
      %mul3A_626 = arith.muli %add3A_624, %mul3A_625 : i32
      %dma_start3A_627 = arith.constant 5 : i32
      %dma_start3A_628 = arith.constant 0 : i32
      %dma_start3A_629 = arith.constant 5 : i32
      %dma_start3A_630 = arith.constant 0 : i32
      %dma_start3A_631 = arith.constant 0 : i32
      %dma_start3A_632 = tpu.memref_slice %arg6[%dma_start3A_627, %dma_start3A_630, %dma_start3A_631] : memref<8x200x64xf32, #tpu.memory_space<vmem>> -> memref<1x200x64xf32, #tpu.memory_space<vmem>>
      %dma_start3A_633 = tpu.memref_squeeze %dma_start3A_632 : memref<1x200x64xf32, #tpu.memory_space<vmem>> -> memref<200x64xf32, #tpu.memory_space<vmem>>
      %dma_start3A_634 = arith.constant 0 : i32
      %dma_start3A_635 = tpu.memref_slice %arg4[%mul3A_626, %dma_start3A_628, %dma_start3A_634] : memref<819200x2x64xf32, #tpu.memory_space<hbm>> -> memref<200x1x64xf32, #tpu.memory_space<hbm>>
      %dma_start3A_636 = tpu.memref_squeeze %dma_start3A_635 : memref<200x1x64xf32, #tpu.memory_space<hbm>> -> memref<200x64xf32, #tpu.memory_space<hbm>>
      %dma_start3A_637 = tpu.memref_slice %arg9[%dma_start3A_629] : memref<8x!tpu.dma_semaphore, #tpu.memory_space<semaphore_mem>> -> memref<1x!tpu.dma_semaphore, #tpu.memory_space<semaphore_mem>>
      %dma_start3A_638 = tpu.memref_squeeze %dma_start3A_637 : memref<1x!tpu.dma_semaphore, #tpu.memory_space<semaphore_mem>> -> memref<!tpu.dma_semaphore, #tpu.memory_space<semaphore_mem>>
      %dma_start3A_639 = arith.constant 0 : i32
      %dma_start3A_640 = tpu.memref_slice %arg4[%mul3A_626, %dma_start3A_628, %dma_start3A_639] : memref<819200x2x64xf32, #tpu.memory_space<hbm>> -> memref<200x1x64xf32, #tpu.memory_space<hbm>>
      %dma_start3A_641 = tpu.memref_squeeze %dma_start3A_640 : memref<200x1x64xf32, #tpu.memory_space<hbm>> -> memref<200x64xf32, #tpu.memory_space<hbm>>
      %dma_start3A_642 = arith.constant 0 : i32
      %dma_start3A_643 = arith.constant 0 : i32
      %dma_start3A_644 = tpu.memref_slice %arg6[%dma_start3A_627, %dma_start3A_642, %dma_start3A_643] : memref<8x200x64xf32, #tpu.memory_space<vmem>> -> memref<1x200x64xf32, #tpu.memory_space<vmem>>
      %dma_start3A_645 = tpu.memref_squeeze %dma_start3A_644 : memref<1x200x64xf32, #tpu.memory_space<vmem>> -> memref<200x64xf32, #tpu.memory_space<vmem>>
      tpu.enqueue_dma source(%dma_start3A_645 : memref<200x64xf32, #tpu.memory_space<vmem>>) target(%dma_start3A_641 : memref<200x64xf32, #tpu.memory_space<hbm>>) target_semaphore(%dma_start3A_638 : memref<!tpu.dma_semaphore, #tpu.memory_space<semaphore_mem>>)
      %dma_wait3A_646 = arith.constant 6 : i32
      %dma_wait3A_647 = arith.constant 6 : i32
      %dma_wait3A_648 = arith.constant 6 : i32
      %dma_wait3A_649 = arith.constant 0 : i32
      %dma_wait3A_650 = arith.constant 0 : i32
      %dma_wait3A_651 = tpu.memref_slice %arg6[%dma_wait3A_647, %dma_wait3A_649, %dma_wait3A_650] : memref<8x200x64xf32, #tpu.memory_space<vmem>> -> memref<1x200x64xf32, #tpu.memory_space<vmem>>
      %dma_wait3A_652 = tpu.memref_squeeze %dma_wait3A_651 : memref<1x200x64xf32, #tpu.memory_space<vmem>> -> memref<200x64xf32, #tpu.memory_space<vmem>>
      %dma_wait3A_653 = arith.constant 0 : i32
      %dma_wait3A_654 = tpu.memref_slice %arg5[%dma_wait3A_646, %dma_wait3A_653] : memref<8x200xi32, #tpu.memory_space<vmem>> -> memref<1x200xi32, #tpu.memory_space<vmem>>
      %dma_wait3A_655 = tpu.memref_squeeze %dma_wait3A_654 : memref<1x200xi32, #tpu.memory_space<vmem>> -> memref<200xi32, #tpu.memory_space<vmem>>
      %dma_wait3A_656 = arith.constant 0 : i32
      %dma_wait3A_657 = arith.constant 0 : i32
      %dma_wait3A_658 = tpu.memref_slice %arg3[%dma_wait3A_656, %dma_wait3A_657] : memref<1000000x64xf32, #tpu.memory_space<hbm>> -> memref<1000000x64xf32, #tpu.memory_space<hbm>>
      %dma_wait3A_659 = tpu.memref_slice %arg8[%dma_wait3A_648] : memref<8x!tpu.dma_semaphore, #tpu.memory_space<semaphore_mem>> -> memref<1x!tpu.dma_semaphore, #tpu.memory_space<semaphore_mem>>
      %dma_wait3A_660 = tpu.memref_squeeze %dma_wait3A_659 : memref<1x!tpu.dma_semaphore, #tpu.memory_space<semaphore_mem>> -> memref<!tpu.dma_semaphore, #tpu.memory_space<semaphore_mem>>
      tpu.wait_indirect_dma semaphore(%dma_wait3A_660 : memref<!tpu.dma_semaphore, #tpu.memory_space<semaphore_mem>>) src(%dma_wait3A_658 : memref<1000000x64xf32, #tpu.memory_space<hbm>>) dst(%dma_wait3A_652 : memref<200x64xf32, #tpu.memory_space<vmem>>)
      %add3A_661 = arith.constant 6 : i32
      %add3A_662 = arith.addi %add3A_11, %add3A_661 : i32
      %mul3A_663 = arith.constant 200 : i32
      %mul3A_664 = arith.muli %add3A_662, %mul3A_663 : i32
      %dma_start3A_665 = arith.constant 6 : i32
      %dma_start3A_666 = arith.constant 0 : i32
      %dma_start3A_667 = arith.constant 6 : i32
      %dma_start3A_668 = arith.constant 0 : i32
      %dma_start3A_669 = arith.constant 0 : i32
      %dma_start3A_670 = tpu.memref_slice %arg6[%dma_start3A_665, %dma_start3A_668, %dma_start3A_669] : memref<8x200x64xf32, #tpu.memory_space<vmem>> -> memref<1x200x64xf32, #tpu.memory_space<vmem>>
      %dma_start3A_671 = tpu.memref_squeeze %dma_start3A_670 : memref<1x200x64xf32, #tpu.memory_space<vmem>> -> memref<200x64xf32, #tpu.memory_space<vmem>>
      %dma_start3A_672 = arith.constant 0 : i32
      %dma_start3A_673 = tpu.memref_slice %arg4[%mul3A_664, %dma_start3A_666, %dma_start3A_672] : memref<819200x2x64xf32, #tpu.memory_space<hbm>> -> memref<200x1x64xf32, #tpu.memory_space<hbm>>
      %dma_start3A_674 = tpu.memref_squeeze %dma_start3A_673 : memref<200x1x64xf32, #tpu.memory_space<hbm>> -> memref<200x64xf32, #tpu.memory_space<hbm>>
      %dma_start3A_675 = tpu.memref_slice %arg9[%dma_start3A_667] : memref<8x!tpu.dma_semaphore, #tpu.memory_space<semaphore_mem>> -> memref<1x!tpu.dma_semaphore, #tpu.memory_space<semaphore_mem>>
      %dma_start3A_676 = tpu.memref_squeeze %dma_start3A_675 : memref<1x!tpu.dma_semaphore, #tpu.memory_space<semaphore_mem>> -> memref<!tpu.dma_semaphore, #tpu.memory_space<semaphore_mem>>
      %dma_start3A_677 = arith.constant 0 : i32
      %dma_start3A_678 = tpu.memref_slice %arg4[%mul3A_664, %dma_start3A_666, %dma_start3A_677] : memref<819200x2x64xf32, #tpu.memory_space<hbm>> -> memref<200x1x64xf32, #tpu.memory_space<hbm>>
      %dma_start3A_679 = tpu.memref_squeeze %dma_start3A_678 : memref<200x1x64xf32, #tpu.memory_space<hbm>> -> memref<200x64xf32, #tpu.memory_space<hbm>>
      %dma_start3A_680 = arith.constant 0 : i32
      %dma_start3A_681 = arith.constant 0 : i32
      %dma_start3A_682 = tpu.memref_slice %arg6[%dma_start3A_665, %dma_start3A_680, %dma_start3A_681] : memref<8x200x64xf32, #tpu.memory_space<vmem>> -> memref<1x200x64xf32, #tpu.memory_space<vmem>>
      %dma_start3A_683 = tpu.memref_squeeze %dma_start3A_682 : memref<1x200x64xf32, #tpu.memory_space<vmem>> -> memref<200x64xf32, #tpu.memory_space<vmem>>
      tpu.enqueue_dma source(%dma_start3A_683 : memref<200x64xf32, #tpu.memory_space<vmem>>) target(%dma_start3A_679 : memref<200x64xf32, #tpu.memory_space<hbm>>) target_semaphore(%dma_start3A_676 : memref<!tpu.dma_semaphore, #tpu.memory_space<semaphore_mem>>)
      %dma_wait3A_684 = arith.constant 7 : i32
      %dma_wait3A_685 = arith.constant 7 : i32
      %dma_wait3A_686 = arith.constant 7 : i32
      %dma_wait3A_687 = arith.constant 0 : i32
      %dma_wait3A_688 = arith.constant 0 : i32
      %dma_wait3A_689 = tpu.memref_slice %arg6[%dma_wait3A_685, %dma_wait3A_687, %dma_wait3A_688] : memref<8x200x64xf32, #tpu.memory_space<vmem>> -> memref<1x200x64xf32, #tpu.memory_space<vmem>>
      %dma_wait3A_690 = tpu.memref_squeeze %dma_wait3A_689 : memref<1x200x64xf32, #tpu.memory_space<vmem>> -> memref<200x64xf32, #tpu.memory_space<vmem>>
      %dma_wait3A_691 = arith.constant 0 : i32
      %dma_wait3A_692 = tpu.memref_slice %arg5[%dma_wait3A_684, %dma_wait3A_691] : memref<8x200xi32, #tpu.memory_space<vmem>> -> memref<1x200xi32, #tpu.memory_space<vmem>>
      %dma_wait3A_693 = tpu.memref_squeeze %dma_wait3A_692 : memref<1x200xi32, #tpu.memory_space<vmem>> -> memref<200xi32, #tpu.memory_space<vmem>>
      %dma_wait3A_694 = arith.constant 0 : i32
      %dma_wait3A_695 = arith.constant 0 : i32
      %dma_wait3A_696 = tpu.memref_slice %arg3[%dma_wait3A_694, %dma_wait3A_695] : memref<1000000x64xf32, #tpu.memory_space<hbm>> -> memref<1000000x64xf32, #tpu.memory_space<hbm>>
      %dma_wait3A_697 = tpu.memref_slice %arg8[%dma_wait3A_686] : memref<8x!tpu.dma_semaphore, #tpu.memory_space<semaphore_mem>> -> memref<1x!tpu.dma_semaphore, #tpu.memory_space<semaphore_mem>>
      %dma_wait3A_698 = tpu.memref_squeeze %dma_wait3A_697 : memref<1x!tpu.dma_semaphore, #tpu.memory_space<semaphore_mem>> -> memref<!tpu.dma_semaphore, #tpu.memory_space<semaphore_mem>>
      tpu.wait_indirect_dma semaphore(%dma_wait3A_698 : memref<!tpu.dma_semaphore, #tpu.memory_space<semaphore_mem>>) src(%dma_wait3A_696 : memref<1000000x64xf32, #tpu.memory_space<hbm>>) dst(%dma_wait3A_690 : memref<200x64xf32, #tpu.memory_space<vmem>>)
      %add3A_699 = arith.constant 7 : i32
      %add3A_700 = arith.addi %add3A_11, %add3A_699 : i32
      %mul3A_701 = arith.constant 200 : i32
      %mul3A_702 = arith.muli %add3A_700, %mul3A_701 : i32
      %dma_start3A_703 = arith.constant 7 : i32
      %dma_start3A_704 = arith.constant 0 : i32
      %dma_start3A_705 = arith.constant 7 : i32
      %dma_start3A_706 = arith.constant 0 : i32
      %dma_start3A_707 = arith.constant 0 : i32
      %dma_start3A_708 = tpu.memref_slice %arg6[%dma_start3A_703, %dma_start3A_706, %dma_start3A_707] : memref<8x200x64xf32, #tpu.memory_space<vmem>> -> memref<1x200x64xf32, #tpu.memory_space<vmem>>
      %dma_start3A_709 = tpu.memref_squeeze %dma_start3A_708 : memref<1x200x64xf32, #tpu.memory_space<vmem>> -> memref<200x64xf32, #tpu.memory_space<vmem>>
      %dma_start3A_710 = arith.constant 0 : i32
      %dma_start3A_711 = tpu.memref_slice %arg4[%mul3A_702, %dma_start3A_704, %dma_start3A_710] : memref<819200x2x64xf32, #tpu.memory_space<hbm>> -> memref<200x1x64xf32, #tpu.memory_space<hbm>>
      %dma_start3A_712 = tpu.memref_squeeze %dma_start3A_711 : memref<200x1x64xf32, #tpu.memory_space<hbm>> -> memref<200x64xf32, #tpu.memory_space<hbm>>
      %dma_start3A_713 = tpu.memref_slice %arg9[%dma_start3A_705] : memref<8x!tpu.dma_semaphore, #tpu.memory_space<semaphore_mem>> -> memref<1x!tpu.dma_semaphore, #tpu.memory_space<semaphore_mem>>
      %dma_start3A_714 = tpu.memref_squeeze %dma_start3A_713 : memref<1x!tpu.dma_semaphore, #tpu.memory_space<semaphore_mem>> -> memref<!tpu.dma_semaphore, #tpu.memory_space<semaphore_mem>>
      %dma_start3A_715 = arith.constant 0 : i32
      %dma_start3A_716 = tpu.memref_slice %arg4[%mul3A_702, %dma_start3A_704, %dma_start3A_715] : memref<819200x2x64xf32, #tpu.memory_space<hbm>> -> memref<200x1x64xf32, #tpu.memory_space<hbm>>
      %dma_start3A_717 = tpu.memref_squeeze %dma_start3A_716 : memref<200x1x64xf32, #tpu.memory_space<hbm>> -> memref<200x64xf32, #tpu.memory_space<hbm>>
      %dma_start3A_718 = arith.constant 0 : i32
      %dma_start3A_719 = arith.constant 0 : i32
      %dma_start3A_720 = tpu.memref_slice %arg6[%dma_start3A_703, %dma_start3A_718, %dma_start3A_719] : memref<8x200x64xf32, #tpu.memory_space<vmem>> -> memref<1x200x64xf32, #tpu.memory_space<vmem>>
      %dma_start3A_721 = tpu.memref_squeeze %dma_start3A_720 : memref<1x200x64xf32, #tpu.memory_space<vmem>> -> memref<200x64xf32, #tpu.memory_space<vmem>>
      tpu.enqueue_dma source(%dma_start3A_721 : memref<200x64xf32, #tpu.memory_space<vmem>>) target(%dma_start3A_717 : memref<200x64xf32, #tpu.memory_space<hbm>>) target_semaphore(%dma_start3A_714 : memref<!tpu.dma_semaphore, #tpu.memory_space<semaphore_mem>>)
      %add3A_722 = arith.constant 0 : i32
      %add3A_723 = arith.addi %add3A_11, %add3A_722 : i32
      %mul3A_724 = arith.constant 200 : i32
      %mul3A_725 = arith.muli %add3A_723, %mul3A_724 : i32
      %dma_wait3A_726 = arith.constant 0 : i32
      %dma_wait3A_727 = arith.constant 0 : i32
      %dma_wait3A_728 = arith.constant 0 : i32
      %dma_wait3A_729 = arith.constant 0 : i32
      %dma_wait3A_730 = arith.constant 0 : i32
      %dma_wait3A_731 = tpu.memref_slice %arg6[%dma_wait3A_726, %dma_wait3A_729, %dma_wait3A_730] : memref<8x200x64xf32, #tpu.memory_space<vmem>> -> memref<1x200x64xf32, #tpu.memory_space<vmem>>
      %dma_wait3A_732 = tpu.memref_squeeze %dma_wait3A_731 : memref<1x200x64xf32, #tpu.memory_space<vmem>> -> memref<200x64xf32, #tpu.memory_space<vmem>>
      %dma_wait3A_733 = arith.constant 0 : i32
      %dma_wait3A_734 = tpu.memref_slice %arg4[%mul3A_725, %dma_wait3A_727, %dma_wait3A_733] : memref<819200x2x64xf32, #tpu.memory_space<hbm>> -> memref<200x1x64xf32, #tpu.memory_space<hbm>>
      %dma_wait3A_735 = tpu.memref_squeeze %dma_wait3A_734 : memref<200x1x64xf32, #tpu.memory_space<hbm>> -> memref<200x64xf32, #tpu.memory_space<hbm>>
      %dma_wait3A_736 = tpu.memref_slice %arg9[%dma_wait3A_728] : memref<8x!tpu.dma_semaphore, #tpu.memory_space<semaphore_mem>> -> memref<1x!tpu.dma_semaphore, #tpu.memory_space<semaphore_mem>>
      %dma_wait3A_737 = tpu.memref_squeeze %dma_wait3A_736 : memref<1x!tpu.dma_semaphore, #tpu.memory_space<semaphore_mem>> -> memref<!tpu.dma_semaphore, #tpu.memory_space<semaphore_mem>>
      %dma_wait3A_738 = arith.constant 0 : i32
      %dma_wait3A_739 = tpu.memref_slice %arg4[%mul3A_725, %dma_wait3A_727, %dma_wait3A_738] : memref<819200x2x64xf32, #tpu.memory_space<hbm>> -> memref<200x1x64xf32, #tpu.memory_space<hbm>>
      %dma_wait3A_740 = tpu.memref_squeeze %dma_wait3A_739 : memref<200x1x64xf32, #tpu.memory_space<hbm>> -> memref<200x64xf32, #tpu.memory_space<hbm>>
      %dma_wait3A_741 = arith.constant 0 : i32
      %dma_wait3A_742 = arith.constant 0 : i32
      %dma_wait3A_743 = tpu.memref_slice %arg6[%dma_wait3A_726, %dma_wait3A_741, %dma_wait3A_742] : memref<8x200x64xf32, #tpu.memory_space<vmem>> -> memref<1x200x64xf32, #tpu.memory_space<vmem>>
      %dma_wait3A_744 = tpu.memref_squeeze %dma_wait3A_743 : memref<1x200x64xf32, #tpu.memory_space<vmem>> -> memref<200x64xf32, #tpu.memory_space<vmem>>
      tpu.wait_dma2 semaphore(%dma_wait3A_737 : memref<!tpu.dma_semaphore, #tpu.memory_space<semaphore_mem>>) src(%dma_wait3A_744 : memref<200x64xf32, #tpu.memory_space<vmem>>) dst(%dma_wait3A_740 : memref<200x64xf32, #tpu.memory_space<hbm>>)
      %add3A_745 = arith.constant 1 : i32
      %add3A_746 = arith.addi %add3A_11, %add3A_745 : i32
      %mul3A_747 = arith.constant 200 : i32
      %mul3A_748 = arith.muli %add3A_746, %mul3A_747 : i32
      %dma_wait3A_749 = arith.constant 1 : i32
      %dma_wait3A_750 = arith.constant 0 : i32
      %dma_wait3A_751 = arith.constant 1 : i32
      %dma_wait3A_752 = arith.constant 0 : i32
      %dma_wait3A_753 = arith.constant 0 : i32
      %dma_wait3A_754 = tpu.memref_slice %arg6[%dma_wait3A_749, %dma_wait3A_752, %dma_wait3A_753] : memref<8x200x64xf32, #tpu.memory_space<vmem>> -> memref<1x200x64xf32, #tpu.memory_space<vmem>>
      %dma_wait3A_755 = tpu.memref_squeeze %dma_wait3A_754 : memref<1x200x64xf32, #tpu.memory_space<vmem>> -> memref<200x64xf32, #tpu.memory_space<vmem>>
      %dma_wait3A_756 = arith.constant 0 : i32
      %dma_wait3A_757 = tpu.memref_slice %arg4[%mul3A_748, %dma_wait3A_750, %dma_wait3A_756] : memref<819200x2x64xf32, #tpu.memory_space<hbm>> -> memref<200x1x64xf32, #tpu.memory_space<hbm>>
      %dma_wait3A_758 = tpu.memref_squeeze %dma_wait3A_757 : memref<200x1x64xf32, #tpu.memory_space<hbm>> -> memref<200x64xf32, #tpu.memory_space<hbm>>
      %dma_wait3A_759 = tpu.memref_slice %arg9[%dma_wait3A_751] : memref<8x!tpu.dma_semaphore, #tpu.memory_space<semaphore_mem>> -> memref<1x!tpu.dma_semaphore, #tpu.memory_space<semaphore_mem>>
      %dma_wait3A_760 = tpu.memref_squeeze %dma_wait3A_759 : memref<1x!tpu.dma_semaphore, #tpu.memory_space<semaphore_mem>> -> memref<!tpu.dma_semaphore, #tpu.memory_space<semaphore_mem>>
      %dma_wait3A_761 = arith.constant 0 : i32
      %dma_wait3A_762 = tpu.memref_slice %arg4[%mul3A_748, %dma_wait3A_750, %dma_wait3A_761] : memref<819200x2x64xf32, #tpu.memory_space<hbm>> -> memref<200x1x64xf32, #tpu.memory_space<hbm>>
      %dma_wait3A_763 = tpu.memref_squeeze %dma_wait3A_762 : memref<200x1x64xf32, #tpu.memory_space<hbm>> -> memref<200x64xf32, #tpu.memory_space<hbm>>
      %dma_wait3A_764 = arith.constant 0 : i32
      %dma_wait3A_765 = arith.constant 0 : i32
      %dma_wait3A_766 = tpu.memref_slice %arg6[%dma_wait3A_749, %dma_wait3A_764, %dma_wait3A_765] : memref<8x200x64xf32, #tpu.memory_space<vmem>> -> memref<1x200x64xf32, #tpu.memory_space<vmem>>
      %dma_wait3A_767 = tpu.memref_squeeze %dma_wait3A_766 : memref<1x200x64xf32, #tpu.memory_space<vmem>> -> memref<200x64xf32, #tpu.memory_space<vmem>>
      tpu.wait_dma2 semaphore(%dma_wait3A_760 : memref<!tpu.dma_semaphore, #tpu.memory_space<semaphore_mem>>) src(%dma_wait3A_767 : memref<200x64xf32, #tpu.memory_space<vmem>>) dst(%dma_wait3A_763 : memref<200x64xf32, #tpu.memory_space<hbm>>)
      %add3A_768 = arith.constant 2 : i32
      %add3A_769 = arith.addi %add3A_11, %add3A_768 : i32
      %mul3A_770 = arith.constant 200 : i32
      %mul3A_771 = arith.muli %add3A_769, %mul3A_770 : i32
      %dma_wait3A_772 = arith.constant 2 : i32
      %dma_wait3A_773 = arith.constant 0 : i32
      %dma_wait3A_774 = arith.constant 2 : i32
      %dma_wait3A_775 = arith.constant 0 : i32
      %dma_wait3A_776 = arith.constant 0 : i32
      %dma_wait3A_777 = tpu.memref_slice %arg6[%dma_wait3A_772, %dma_wait3A_775, %dma_wait3A_776] : memref<8x200x64xf32, #tpu.memory_space<vmem>> -> memref<1x200x64xf32, #tpu.memory_space<vmem>>
      %dma_wait3A_778 = tpu.memref_squeeze %dma_wait3A_777 : memref<1x200x64xf32, #tpu.memory_space<vmem>> -> memref<200x64xf32, #tpu.memory_space<vmem>>
      %dma_wait3A_779 = arith.constant 0 : i32
      %dma_wait3A_780 = tpu.memref_slice %arg4[%mul3A_771, %dma_wait3A_773, %dma_wait3A_779] : memref<819200x2x64xf32, #tpu.memory_space<hbm>> -> memref<200x1x64xf32, #tpu.memory_space<hbm>>
      %dma_wait3A_781 = tpu.memref_squeeze %dma_wait3A_780 : memref<200x1x64xf32, #tpu.memory_space<hbm>> -> memref<200x64xf32, #tpu.memory_space<hbm>>
      %dma_wait3A_782 = tpu.memref_slice %arg9[%dma_wait3A_774] : memref<8x!tpu.dma_semaphore, #tpu.memory_space<semaphore_mem>> -> memref<1x!tpu.dma_semaphore, #tpu.memory_space<semaphore_mem>>
      %dma_wait3A_783 = tpu.memref_squeeze %dma_wait3A_782 : memref<1x!tpu.dma_semaphore, #tpu.memory_space<semaphore_mem>> -> memref<!tpu.dma_semaphore, #tpu.memory_space<semaphore_mem>>
      %dma_wait3A_784 = arith.constant 0 : i32
      %dma_wait3A_785 = tpu.memref_slice %arg4[%mul3A_771, %dma_wait3A_773, %dma_wait3A_784] : memref<819200x2x64xf32, #tpu.memory_space<hbm>> -> memref<200x1x64xf32, #tpu.memory_space<hbm>>
      %dma_wait3A_786 = tpu.memref_squeeze %dma_wait3A_785 : memref<200x1x64xf32, #tpu.memory_space<hbm>> -> memref<200x64xf32, #tpu.memory_space<hbm>>
      %dma_wait3A_787 = arith.constant 0 : i32
      %dma_wait3A_788 = arith.constant 0 : i32
      %dma_wait3A_789 = tpu.memref_slice %arg6[%dma_wait3A_772, %dma_wait3A_787, %dma_wait3A_788] : memref<8x200x64xf32, #tpu.memory_space<vmem>> -> memref<1x200x64xf32, #tpu.memory_space<vmem>>
      %dma_wait3A_790 = tpu.memref_squeeze %dma_wait3A_789 : memref<1x200x64xf32, #tpu.memory_space<vmem>> -> memref<200x64xf32, #tpu.memory_space<vmem>>
      tpu.wait_dma2 semaphore(%dma_wait3A_783 : memref<!tpu.dma_semaphore, #tpu.memory_space<semaphore_mem>>) src(%dma_wait3A_790 : memref<200x64xf32, #tpu.memory_space<vmem>>) dst(%dma_wait3A_786 : memref<200x64xf32, #tpu.memory_space<hbm>>)
      %add3A_791 = arith.constant 3 : i32
      %add3A_792 = arith.addi %add3A_11, %add3A_791 : i32
      %mul3A_793 = arith.constant 200 : i32
      %mul3A_794 = arith.muli %add3A_792, %mul3A_793 : i32
      %dma_wait3A_795 = arith.constant 3 : i32
      %dma_wait3A_796 = arith.constant 0 : i32
      %dma_wait3A_797 = arith.constant 3 : i32
      %dma_wait3A_798 = arith.constant 0 : i32
      %dma_wait3A_799 = arith.constant 0 : i32
      %dma_wait3A_800 = tpu.memref_slice %arg6[%dma_wait3A_795, %dma_wait3A_798, %dma_wait3A_799] : memref<8x200x64xf32, #tpu.memory_space<vmem>> -> memref<1x200x64xf32, #tpu.memory_space<vmem>>
      %dma_wait3A_801 = tpu.memref_squeeze %dma_wait3A_800 : memref<1x200x64xf32, #tpu.memory_space<vmem>> -> memref<200x64xf32, #tpu.memory_space<vmem>>
      %dma_wait3A_802 = arith.constant 0 : i32
      %dma_wait3A_803 = tpu.memref_slice %arg4[%mul3A_794, %dma_wait3A_796, %dma_wait3A_802] : memref<819200x2x64xf32, #tpu.memory_space<hbm>> -> memref<200x1x64xf32, #tpu.memory_space<hbm>>
      %dma_wait3A_804 = tpu.memref_squeeze %dma_wait3A_803 : memref<200x1x64xf32, #tpu.memory_space<hbm>> -> memref<200x64xf32, #tpu.memory_space<hbm>>
      %dma_wait3A_805 = tpu.memref_slice %arg9[%dma_wait3A_797] : memref<8x!tpu.dma_semaphore, #tpu.memory_space<semaphore_mem>> -> memref<1x!tpu.dma_semaphore, #tpu.memory_space<semaphore_mem>>
      %dma_wait3A_806 = tpu.memref_squeeze %dma_wait3A_805 : memref<1x!tpu.dma_semaphore, #tpu.memory_space<semaphore_mem>> -> memref<!tpu.dma_semaphore, #tpu.memory_space<semaphore_mem>>
      %dma_wait3A_807 = arith.constant 0 : i32
      %dma_wait3A_808 = tpu.memref_slice %arg4[%mul3A_794, %dma_wait3A_796, %dma_wait3A_807] : memref<819200x2x64xf32, #tpu.memory_space<hbm>> -> memref<200x1x64xf32, #tpu.memory_space<hbm>>
      %dma_wait3A_809 = tpu.memref_squeeze %dma_wait3A_808 : memref<200x1x64xf32, #tpu.memory_space<hbm>> -> memref<200x64xf32, #tpu.memory_space<hbm>>
      %dma_wait3A_810 = arith.constant 0 : i32
      %dma_wait3A_811 = arith.constant 0 : i32
      %dma_wait3A_812 = tpu.memref_slice %arg6[%dma_wait3A_795, %dma_wait3A_810, %dma_wait3A_811] : memref<8x200x64xf32, #tpu.memory_space<vmem>> -> memref<1x200x64xf32, #tpu.memory_space<vmem>>
      %dma_wait3A_813 = tpu.memref_squeeze %dma_wait3A_812 : memref<1x200x64xf32, #tpu.memory_space<vmem>> -> memref<200x64xf32, #tpu.memory_space<vmem>>
      tpu.wait_dma2 semaphore(%dma_wait3A_806 : memref<!tpu.dma_semaphore, #tpu.memory_space<semaphore_mem>>) src(%dma_wait3A_813 : memref<200x64xf32, #tpu.memory_space<vmem>>) dst(%dma_wait3A_809 : memref<200x64xf32, #tpu.memory_space<hbm>>)
      %add3A_814 = arith.constant 4 : i32
      %add3A_815 = arith.addi %add3A_11, %add3A_814 : i32
      %mul3A_816 = arith.constant 200 : i32
      %mul3A_817 = arith.muli %add3A_815, %mul3A_816 : i32
      %dma_wait3A_818 = arith.constant 4 : i32
      %dma_wait3A_819 = arith.constant 0 : i32
      %dma_wait3A_820 = arith.constant 4 : i32
      %dma_wait3A_821 = arith.constant 0 : i32
      %dma_wait3A_822 = arith.constant 0 : i32
      %dma_wait3A_823 = tpu.memref_slice %arg6[%dma_wait3A_818, %dma_wait3A_821, %dma_wait3A_822] : memref<8x200x64xf32, #tpu.memory_space<vmem>> -> memref<1x200x64xf32, #tpu.memory_space<vmem>>
      %dma_wait3A_824 = tpu.memref_squeeze %dma_wait3A_823 : memref<1x200x64xf32, #tpu.memory_space<vmem>> -> memref<200x64xf32, #tpu.memory_space<vmem>>
      %dma_wait3A_825 = arith.constant 0 : i32
      %dma_wait3A_826 = tpu.memref_slice %arg4[%mul3A_817, %dma_wait3A_819, %dma_wait3A_825] : memref<819200x2x64xf32, #tpu.memory_space<hbm>> -> memref<200x1x64xf32, #tpu.memory_space<hbm>>
      %dma_wait3A_827 = tpu.memref_squeeze %dma_wait3A_826 : memref<200x1x64xf32, #tpu.memory_space<hbm>> -> memref<200x64xf32, #tpu.memory_space<hbm>>
      %dma_wait3A_828 = tpu.memref_slice %arg9[%dma_wait3A_820] : memref<8x!tpu.dma_semaphore, #tpu.memory_space<semaphore_mem>> -> memref<1x!tpu.dma_semaphore, #tpu.memory_space<semaphore_mem>>
      %dma_wait3A_829 = tpu.memref_squeeze %dma_wait3A_828 : memref<1x!tpu.dma_semaphore, #tpu.memory_space<semaphore_mem>> -> memref<!tpu.dma_semaphore, #tpu.memory_space<semaphore_mem>>
      %dma_wait3A_830 = arith.constant 0 : i32
      %dma_wait3A_831 = tpu.memref_slice %arg4[%mul3A_817, %dma_wait3A_819, %dma_wait3A_830] : memref<819200x2x64xf32, #tpu.memory_space<hbm>> -> memref<200x1x64xf32, #tpu.memory_space<hbm>>
      %dma_wait3A_832 = tpu.memref_squeeze %dma_wait3A_831 : memref<200x1x64xf32, #tpu.memory_space<hbm>> -> memref<200x64xf32, #tpu.memory_space<hbm>>
      %dma_wait3A_833 = arith.constant 0 : i32
      %dma_wait3A_834 = arith.constant 0 : i32
      %dma_wait3A_835 = tpu.memref_slice %arg6[%dma_wait3A_818, %dma_wait3A_833, %dma_wait3A_834] : memref<8x200x64xf32, #tpu.memory_space<vmem>> -> memref<1x200x64xf32, #tpu.memory_space<vmem>>
      %dma_wait3A_836 = tpu.memref_squeeze %dma_wait3A_835 : memref<1x200x64xf32, #tpu.memory_space<vmem>> -> memref<200x64xf32, #tpu.memory_space<vmem>>
      tpu.wait_dma2 semaphore(%dma_wait3A_829 : memref<!tpu.dma_semaphore, #tpu.memory_space<semaphore_mem>>) src(%dma_wait3A_836 : memref<200x64xf32, #tpu.memory_space<vmem>>) dst(%dma_wait3A_832 : memref<200x64xf32, #tpu.memory_space<hbm>>)
      %add3A_837 = arith.constant 5 : i32
      %add3A_838 = arith.addi %add3A_11, %add3A_837 : i32
      %mul3A_839 = arith.constant 200 : i32
      %mul3A_840 = arith.muli %add3A_838, %mul3A_839 : i32
      %dma_wait3A_841 = arith.constant 5 : i32
      %dma_wait3A_842 = arith.constant 0 : i32
      %dma_wait3A_843 = arith.constant 5 : i32
      %dma_wait3A_844 = arith.constant 0 : i32
      %dma_wait3A_845 = arith.constant 0 : i32
      %dma_wait3A_846 = tpu.memref_slice %arg6[%dma_wait3A_841, %dma_wait3A_844, %dma_wait3A_845] : memref<8x200x64xf32, #tpu.memory_space<vmem>> -> memref<1x200x64xf32, #tpu.memory_space<vmem>>
      %dma_wait3A_847 = tpu.memref_squeeze %dma_wait3A_846 : memref<1x200x64xf32, #tpu.memory_space<vmem>> -> memref<200x64xf32, #tpu.memory_space<vmem>>
      %dma_wait3A_848 = arith.constant 0 : i32
      %dma_wait3A_849 = tpu.memref_slice %arg4[%mul3A_840, %dma_wait3A_842, %dma_wait3A_848] : memref<819200x2x64xf32, #tpu.memory_space<hbm>> -> memref<200x1x64xf32, #tpu.memory_space<hbm>>
      %dma_wait3A_850 = tpu.memref_squeeze %dma_wait3A_849 : memref<200x1x64xf32, #tpu.memory_space<hbm>> -> memref<200x64xf32, #tpu.memory_space<hbm>>
      %dma_wait3A_851 = tpu.memref_slice %arg9[%dma_wait3A_843] : memref<8x!tpu.dma_semaphore, #tpu.memory_space<semaphore_mem>> -> memref<1x!tpu.dma_semaphore, #tpu.memory_space<semaphore_mem>>
      %dma_wait3A_852 = tpu.memref_squeeze %dma_wait3A_851 : memref<1x!tpu.dma_semaphore, #tpu.memory_space<semaphore_mem>> -> memref<!tpu.dma_semaphore, #tpu.memory_space<semaphore_mem>>
      %dma_wait3A_853 = arith.constant 0 : i32
      %dma_wait3A_854 = tpu.memref_slice %arg4[%mul3A_840, %dma_wait3A_842, %dma_wait3A_853] : memref<819200x2x64xf32, #tpu.memory_space<hbm>> -> memref<200x1x64xf32, #tpu.memory_space<hbm>>
      %dma_wait3A_855 = tpu.memref_squeeze %dma_wait3A_854 : memref<200x1x64xf32, #tpu.memory_space<hbm>> -> memref<200x64xf32, #tpu.memory_space<hbm>>
      %dma_wait3A_856 = arith.constant 0 : i32
      %dma_wait3A_857 = arith.constant 0 : i32
      %dma_wait3A_858 = tpu.memref_slice %arg6[%dma_wait3A_841, %dma_wait3A_856, %dma_wait3A_857] : memref<8x200x64xf32, #tpu.memory_space<vmem>> -> memref<1x200x64xf32, #tpu.memory_space<vmem>>
      %dma_wait3A_859 = tpu.memref_squeeze %dma_wait3A_858 : memref<1x200x64xf32, #tpu.memory_space<vmem>> -> memref<200x64xf32, #tpu.memory_space<vmem>>
      tpu.wait_dma2 semaphore(%dma_wait3A_852 : memref<!tpu.dma_semaphore, #tpu.memory_space<semaphore_mem>>) src(%dma_wait3A_859 : memref<200x64xf32, #tpu.memory_space<vmem>>) dst(%dma_wait3A_855 : memref<200x64xf32, #tpu.memory_space<hbm>>)
      %add3A_860 = arith.constant 6 : i32
      %add3A_861 = arith.addi %add3A_11, %add3A_860 : i32
      %mul3A_862 = arith.constant 200 : i32
      %mul3A_863 = arith.muli %add3A_861, %mul3A_862 : i32
      %dma_wait3A_864 = arith.constant 6 : i32
      %dma_wait3A_865 = arith.constant 0 : i32
      %dma_wait3A_866 = arith.constant 6 : i32
      %dma_wait3A_867 = arith.constant 0 : i32
      %dma_wait3A_868 = arith.constant 0 : i32
      %dma_wait3A_869 = tpu.memref_slice %arg6[%dma_wait3A_864, %dma_wait3A_867, %dma_wait3A_868] : memref<8x200x64xf32, #tpu.memory_space<vmem>> -> memref<1x200x64xf32, #tpu.memory_space<vmem>>
      %dma_wait3A_870 = tpu.memref_squeeze %dma_wait3A_869 : memref<1x200x64xf32, #tpu.memory_space<vmem>> -> memref<200x64xf32, #tpu.memory_space<vmem>>
      %dma_wait3A_871 = arith.constant 0 : i32
      %dma_wait3A_872 = tpu.memref_slice %arg4[%mul3A_863, %dma_wait3A_865, %dma_wait3A_871] : memref<819200x2x64xf32, #tpu.memory_space<hbm>> -> memref<200x1x64xf32, #tpu.memory_space<hbm>>
      %dma_wait3A_873 = tpu.memref_squeeze %dma_wait3A_872 : memref<200x1x64xf32, #tpu.memory_space<hbm>> -> memref<200x64xf32, #tpu.memory_space<hbm>>
      %dma_wait3A_874 = tpu.memref_slice %arg9[%dma_wait3A_866] : memref<8x!tpu.dma_semaphore, #tpu.memory_space<semaphore_mem>> -> memref<1x!tpu.dma_semaphore, #tpu.memory_space<semaphore_mem>>
      %dma_wait3A_875 = tpu.memref_squeeze %dma_wait3A_874 : memref<1x!tpu.dma_semaphore, #tpu.memory_space<semaphore_mem>> -> memref<!tpu.dma_semaphore, #tpu.memory_space<semaphore_mem>>
      %dma_wait3A_876 = arith.constant 0 : i32
      %dma_wait3A_877 = tpu.memref_slice %arg4[%mul3A_863, %dma_wait3A_865, %dma_wait3A_876] : memref<819200x2x64xf32, #tpu.memory_space<hbm>> -> memref<200x1x64xf32, #tpu.memory_space<hbm>>
      %dma_wait3A_878 = tpu.memref_squeeze %dma_wait3A_877 : memref<200x1x64xf32, #tpu.memory_space<hbm>> -> memref<200x64xf32, #tpu.memory_space<hbm>>
      %dma_wait3A_879 = arith.constant 0 : i32
      %dma_wait3A_880 = arith.constant 0 : i32
      %dma_wait3A_881 = tpu.memref_slice %arg6[%dma_wait3A_864, %dma_wait3A_879, %dma_wait3A_880] : memref<8x200x64xf32, #tpu.memory_space<vmem>> -> memref<1x200x64xf32, #tpu.memory_space<vmem>>
      %dma_wait3A_882 = tpu.memref_squeeze %dma_wait3A_881 : memref<1x200x64xf32, #tpu.memory_space<vmem>> -> memref<200x64xf32, #tpu.memory_space<vmem>>
      tpu.wait_dma2 semaphore(%dma_wait3A_875 : memref<!tpu.dma_semaphore, #tpu.memory_space<semaphore_mem>>) src(%dma_wait3A_882 : memref<200x64xf32, #tpu.memory_space<vmem>>) dst(%dma_wait3A_878 : memref<200x64xf32, #tpu.memory_space<hbm>>)
      %add3A_883 = arith.constant 7 : i32
      %add3A_884 = arith.addi %add3A_11, %add3A_883 : i32
      %mul3A_885 = arith.constant 200 : i32
      %mul3A_886 = arith.muli %add3A_884, %mul3A_885 : i32
      %dma_wait3A_887 = arith.constant 7 : i32
      %dma_wait3A_888 = arith.constant 0 : i32
      %dma_wait3A_889 = arith.constant 7 : i32
      %dma_wait3A_890 = arith.constant 0 : i32
      %dma_wait3A_891 = arith.constant 0 : i32
      %dma_wait3A_892 = tpu.memref_slice %arg6[%dma_wait3A_887, %dma_wait3A_890, %dma_wait3A_891] : memref<8x200x64xf32, #tpu.memory_space<vmem>> -> memref<1x200x64xf32, #tpu.memory_space<vmem>>
      %dma_wait3A_893 = tpu.memref_squeeze %dma_wait3A_892 : memref<1x200x64xf32, #tpu.memory_space<vmem>> -> memref<200x64xf32, #tpu.memory_space<vmem>>
      %dma_wait3A_894 = arith.constant 0 : i32
      %dma_wait3A_895 = tpu.memref_slice %arg4[%mul3A_886, %dma_wait3A_888, %dma_wait3A_894] : memref<819200x2x64xf32, #tpu.memory_space<hbm>> -> memref<200x1x64xf32, #tpu.memory_space<hbm>>
      %dma_wait3A_896 = tpu.memref_squeeze %dma_wait3A_895 : memref<200x1x64xf32, #tpu.memory_space<hbm>> -> memref<200x64xf32, #tpu.memory_space<hbm>>
      %dma_wait3A_897 = tpu.memref_slice %arg9[%dma_wait3A_889] : memref<8x!tpu.dma_semaphore, #tpu.memory_space<semaphore_mem>> -> memref<1x!tpu.dma_semaphore, #tpu.memory_space<semaphore_mem>>
      %dma_wait3A_898 = tpu.memref_squeeze %dma_wait3A_897 : memref<1x!tpu.dma_semaphore, #tpu.memory_space<semaphore_mem>> -> memref<!tpu.dma_semaphore, #tpu.memory_space<semaphore_mem>>
      %dma_wait3A_899 = arith.constant 0 : i32
      %dma_wait3A_900 = tpu.memref_slice %arg4[%mul3A_886, %dma_wait3A_888, %dma_wait3A_899] : memref<819200x2x64xf32, #tpu.memory_space<hbm>> -> memref<200x1x64xf32, #tpu.memory_space<hbm>>
      %dma_wait3A_901 = tpu.memref_squeeze %dma_wait3A_900 : memref<200x1x64xf32, #tpu.memory_space<hbm>> -> memref<200x64xf32, #tpu.memory_space<hbm>>
      %dma_wait3A_902 = arith.constant 0 : i32
      %dma_wait3A_903 = arith.constant 0 : i32
      %dma_wait3A_904 = tpu.memref_slice %arg6[%dma_wait3A_887, %dma_wait3A_902, %dma_wait3A_903] : memref<8x200x64xf32, #tpu.memory_space<vmem>> -> memref<1x200x64xf32, #tpu.memory_space<vmem>>
      %dma_wait3A_905 = tpu.memref_squeeze %dma_wait3A_904 : memref<1x200x64xf32, #tpu.memory_space<vmem>> -> memref<200x64xf32, #tpu.memory_space<vmem>>
      tpu.wait_dma2 semaphore(%dma_wait3A_898 : memref<!tpu.dma_semaphore, #tpu.memory_space<semaphore_mem>>) src(%dma_wait3A_905 : memref<200x64xf32, #tpu.memory_space<vmem>>) dst(%dma_wait3A_901 : memref<200x64xf32, #tpu.memory_space<hbm>>)
    }
    %scan3A_7 = arith.constant 16 : i32
    return
  }
}

</mosaic_0001>

<sc_bundles>
// kernel: _sc_gather.3.cloned.1.call-start
scs
__scs_entry_jumppad:
0x0: {  	(pc) =	sbr.rel $0x88, $3  }
0x1: {  	(tag) =	ssettag $0x0;
	lr =	simm.s32 $0x1  }
0x2: {  	[smem:$0x3F9F] =	sst lr;
	_ =	strace $0xD0000000  }
0x3: {  	_ = 	snop  }
0x4: {  	_ = 	snop  }
0x5: {  	_ = 	snop  }
0x6: {  	_ = 	snop  }
0x7: {  	_ = 	snop  }
__scs_overlays_trampoline_lowered:
0x8: {  	[smem:$0x3FAE] =	sst s0  }
0x9: {  	[smem:$0x3FAF] =	sst s1  }
0xa: {  	[smem:$0x3FB0] =	sst s2  }
0xb: {  	[smem:$0x3FB1] =	sst s3  }
0xc: {  	[smem:$0x3FB2] =	sst s4  }
0xd: {  	[smem:$0x3FB3] =	sst s5  }
0xe: {  	[smem:$0x3FB4] =	sst s6  }
0xf: {  	[smem:$0x3FB5] =	sst s7  }
0x10: {  	[smem:$0x3FB6] =	sst s8  }
0x11: {  	[smem:$0x3FB7] =	sst s9;
	s0 =	simm.s32 @!p0 $0x0  }
0x12: {  	s1 =	sld [smem:$0x3F9D];
	s0 =	simm.s32 @p0 $0x1  }
0x13: {  	[smem:$0x3FB8] =	sst s0;
	s0 =	simm.s32 @!p1 $0x0  }
0x14: {  	s2 =	sld [smem:$0x3F9C];
	s0 =	simm.s32 @p1 $0x1  }
0x15: {  	[smem:$0x3FB9] =	sst s0;
	s0 =	simm.s32 @!p2 $0x0  }
0x16: {  	s3 =	sld [smem:$0x3FDB];
	s0 =	simm.s32 @p2 $0x1  }
0x17: {  	s4 =	simm.s32 $0x1BF5;
	[smem:$0x3FBB] =	sst s0  }
0x18: {  	s0 =	sld [smem:$0x3F9E];
	_ =	swait.ge [sflag:s4], $0x0  }
0x19: {  	s7 =	sld [smem:$0x3F9F]  }
0x1a: {  	s8 =	sadd.s32 $0xFFFFE003, lr  }
0x1b: {  	s9 =	sadd.s32 $0xFFFFFEF7, lr;
	s5 =	simm.s32 $0xFFFFFFFF;
	p2 =	slt.u32 s8, $0xFFFFF086  }
0x1c: {  	p1 =	slt.u32 s9, $0xF7A;
	s5 =	simm.s32 @!p2 $0x0  }
0x1d: {  	s5 =	simm.s32 @p1 $0x1;
	p0 =	seq.s32 s7, s2  }
0x1e: {  	s7 =	smul.u32 @!p0 $0xF7A, s2;
	p2 =	seq.s32 @!p0 s5, $0x0  }
0x1f: {  	s9 =	smul.u32 $0xF7A, s1;
	s8 =	simm.s32 @!p0 $0x1BF5;
	p2 =	por !p2, p0  }
0x20: {  	[sflag:s8] =	ssyncset.s32 @!p0 $0xFFFFF086;
	s6 =	sadd.s32 @!p0 s3, s7;
	s7 =	simm.s32 @!p0 $0x108  }
0x21: {  	s3 =	sadd.s32 s3, s9;
	s6 =	sadd.s32 @!p0 $0x88, s6;
	s7 =	simm.s32 @p2 $0x1082  }
0x22: {  	[simem:s7], [sflag:s8] =	dma.local @!p0 [hbm:s6], $0xF7A  }
0x23: {  	s9 =	sor.u32 $0xD0000000, s2;
	s6 =	simm.s32 $0x108;
	_ =	swait.ge @!p0 [sflag:s8], $0x0  }
0x24: {  	s3 =	sadd.s32 $0x88, s3;
	s6 =	simm.s32 @!p1 $0x1082;
	[sflag:s4] =	ssyncset.s32 $0xFFFFF086  }
0x25: {  	[simem:s6], [sflag:s4] =	dma.local [hbm:s3], $0xF7A  }
0x26: {  	[smem:$0x3F9F] =	sst s1;
	(tag) =	ssettag s2;
	_ =	strace s9  }
0x27: {  	s1 =	sld [smem:$0x3FAF]  }
0x28: {  	s2 =	sld [smem:$0x3FB0]  }
0x29: {  	s4 =	sld [smem:$0x3FB2]  }
0x2a: {  	p0 =	seq.s32 s5, $0x0;
	s5 =	sld [smem:$0x3FB3]  }
0x2b: {  	s6 =	sld [smem:$0x3FB4]  }
0x2c: {  	s7 =	sld [smem:$0x3FB5]  }
0x2d: {  	s3 =	simm.s32 $0x108;
	s8 =	sld [smem:$0x3FB6]  }
0x2e: {  	s3 =	simm.s32 @!p0 $0x1082;
	s9 =	sld [smem:$0x3FB7]  }
0x2f: {  	lr =	sadd.s32 s0, s3;
	s0 =	sld [smem:$0x3FAE]  }
0x30: {  	s3 =	sld [smem:$0x3FB1]  }
0x31: {  	[smem:$0x3FBA] =	sst s10  }
0x32: {  	s10 =	sld [smem:$0x3FB8];
	_ =	sdelay $0x3  }
0x33: {  	p0 =	seq.s32 s10, $0x1;
	s10 =	sld [smem:$0x3FBA];
	_ =	sdelay $0x3  }
0x34: {  	[smem:$0x3FBA] =	sst s10  }
0x35: {  	s10 =	sld [smem:$0x3FB9];
	_ =	sdelay $0x3  }
0x36: {  	p1 =	seq.s32 s10, $0x1;
	s10 =	sld [smem:$0x3FBA];
	_ =	sdelay $0x3  }
0x37: {  	[smem:$0x3FBA] =	sst s10  }
0x38: {  	s10 =	sld [smem:$0x3FBB]  }
0x39: {  	_ = 	snop;
	(pc) =	sbr.ind lr, $3  }
0x3a: {  	_ = 	snop  }
0x3b: {  	_ = 	snop  }
0x3c: {  	p2 =	seq.s32 s10, $0x1;
	s10 =	sld [smem:$0x3FBA]  }
0x3d: {  	_ =	shalt  }
0x3e: {  	_ =	shalt  }
0x3f: {  	_ =	shalt  }
0x40: {  	_ =	shalt  }
0x41: {  	_ =	shalt  }
0x42: {  	_ =	shalt  }
0x43: {  	_ =	shalt  }
0x44: {  	_ =	shalt  }
0x45: {  	_ =	shalt  }
0x46: {  	_ =	shalt  }
0x47: {  	_ =	shalt  }
0x48: {  	_ =	shalt  }
0x49: {  	_ =	shalt  }
0x4a: {  	_ =	shalt  }
0x4b: {  	_ =	shalt  }
0x4c: {  	_ =	shalt  }
0x4d: {  	_ =	shalt  }
0x4e: {  	_ =	shalt  }
0x4f: {  	_ =	shalt  }
0x50: {  	_ =	shalt  }
0x51: {  	_ =	shalt  }
0x52: {  	_ =	shalt  }
0x53: {  	_ =	shalt  }
0x54: {  	_ =	shalt  }
0x55: {  	_ =	shalt  }
0x56: {  	_ =	shalt  }
0x57: {  	_ =	shalt  }
0x58: {  	_ =	shalt  }
0x59: {  	_ =	shalt  }
0x5a: {  	_ =	shalt  }
0x5b: {  	_ =	shalt  }
0x5c: {  	_ =	shalt  }
0x5d: {  	_ =	shalt  }
0x5e: {  	_ =	shalt  }
0x5f: {  	_ =	shalt  }
0x60: {  	_ =	shalt  }
0x61: {  	_ =	shalt  }
0x62: {  	_ =	shalt  }
0x63: {  	_ =	shalt  }
0x64: {  	_ =	shalt  }
0x65: {  	_ =	shalt  }
0x66: {  	_ =	shalt  }
0x67: {  	_ =	shalt  }
0x68: {  	_ =	shalt  }
0x69: {  	_ =	shalt  }
0x6a: {  	_ =	shalt  }
0x6b: {  	_ =	shalt  }
0x6c: {  	_ =	shalt  }
0x6d: {  	_ =	shalt  }
0x6e: {  	_ =	shalt  }
0x6f: {  	_ =	shalt  }
0x70: {  	_ =	shalt  }
0x71: {  	_ =	shalt  }
0x72: {  	_ =	shalt  }
0x73: {  	_ =	shalt  }
0x74: {  	_ =	shalt  }
0x75: {  	_ =	shalt  }
0x76: {  	_ =	shalt  }
0x77: {  	_ =	shalt  }
0x78: {  	_ =	shalt  }
0x79: {  	_ =	shalt  }
0x7a: {  	_ =	shalt  }
0x7b: {  	_ =	shalt  }
0x7c: {  	_ =	shalt  }
0x7d: {  	_ =	shalt  }
0x7e: {  	_ =	shalt  }
0x7f: {  	_ =	shalt  }
0x80: {  	_ =	shalt  }
0x81: {  	_ =	shalt  }
0x82: {  	_ =	shalt  }
0x83: {  	_ =	shalt  }
0x84: {  	_ =	shalt  }
0x85: {  	_ =	shalt  }
0x86: {  	_ =	shalt  }
0x87: {  	_ =	shalt  }
.Lfunc_end0:
.L_simem_size_0:
called_computation.1_lowered:
.L_overlay_start_0:
0x88: {  	s2 =	sld [smem:$0x3FD9]  }
0x89: {  	s3 =	sld [smem:$0x3FFE];
	_ =	sdelay $0x1  }
0x8a: {  	s1 =	srdreg.scid  }
0x8b: {  	s0 =	sand.u32 $0x1, s1  }
0x8c: {  	s17 =	sshll.u32 s0, $0xA;
	s2 =	sadd.s32 s3, s2  }
0x8d: {  	s2 =	sadd.s32 s2, s17  }
0x8e: {  	[smem:$0x3FC6] =	sst s2  }
0x8f: {  	_ = 	snop  }
0x90: {  	s2 =	sld [smem:$0x3FD0];
	(tm) =	ssettm $0x1  }
0x91: {  	s18 =	sld [smem:$0x3FFB];
	_ =	sdelay $0x3  }
0x92: {  	_ =	strace s18  }
0x93: {  	s3 =	sld [smem:$0x3FFC];
	_ =	sdelay $0x3  }
0x94: {  	_ =	strace s3  }
0x95: {  	s3 =	sld [smem:$0x3FFD];
	_ =	sdelay $0x3  }
0x96: {  	_ =	strace s3  }
0x97: {  	_ =	strace $0x8FFFFFFF  }
0x98: {  	s19 =	sld [smem:$0x3FDB];
	_ =	sdelay $0x1  }
0x99: {  	s4 =	simm.s32 $_scs_section_size  }
0x9a: {  	s5 =	simm.s32 $_size__tile_overlayer_lowered;
	s6 =	simm.s32 $_tile_overlayer_lowered  }
0x9b: {  	s22 =	simm.s32 $0x1BFF;
	s21 =	sshll.u32 s6, $0x1;
	s3 =	sadd.s32 s4, s19  }
0x9c: {  	s7 =	simm.s32 $0x0;
	s20 =	sshll.u32 s5, $0x1;
	s5 =	sadd.s32 s21, s3  }
0x9d: {  	[timem:s7], [sflag:s22] =	dma.local [hbm:s5], s20  }
0x9e: {  	_ =	swait.ge [sflag:s22], s20  }
0x9f: {  	s4 =	ssub.s32 $0x0, s20;
	[sflag:s22] =	ssyncset.done $0x0  }
0xa0: {  	[sflag:s22] =	ssyncadd.s32 s4;
	_ =	sdelay $0x1  }
0xa1: {  	s23 =	simm.s32 $0x1B8B  }
0xa2: {  	_ =	swait.ge [sflag:s23], $0x1  }
0xa3: {  	[sflag:s23] =	ssyncset.done $0x0  }
0xa4: {  	s25 =	simm.s32 $0x1B8E;
	s24 =	sld [smem:$0x3FFE];
	[sflag:s23] =	ssyncadd.s32 $0xFFFFFFFF  }
0xa5: {  	s26 =	simm.s32 $execute0_lowered;
	[smem:$0x3FD2] =	sst s25  }
0xa6: {  	s5 =	sshll.u32 s26, $0x1;
	_ =	strace $0x80000046;
	[dreg:$0x1] =	wrdreg $0xFFFFFFFF  }
0xa7: {  	s28 =	simm.s32 $_size_execute0_lowered;
	s3 =	sadd.s32 s3, s5;
	[dreg:$0x0] =	wrdreg $0x0  }
0xa8: {  	s5 =	sshll.u32 s28, $0x1;
	[dreg:$0x2] =	wrdreg s3  }
0xa9: {  	[dreg:$0x3] =	wrdreg s5  }
0xaa: {  	[dreg:$0x4] =	wrdreg $0xC0  }
0xab: {  	_ =	task [dreg:s7], $0x5FFFF  }
0xac: {  	[dreg:$0x1] =	wrdreg $0xFFFFFFFF  }
0xad: {  	[dreg:$0x0] =	wrdreg $0x60  }
0xae: {  	[dreg:$0x2] =	wrdreg s24  }
0xaf: {  	[dreg:$0x3] =	wrdreg s2  }
0xb0: {  	[dreg:$0x4] =	wrdreg $0x9  }
0xb1: {  	_ =	task.clear_ibuf [dreg:s7], $0x5FFFF;
	_ =	strace $0x90000046  }
0xb2: {  	s29 =	simm.s32 $0x9;
	_ =	strace $0x80000048  }
0xb3: {  	_ =	swait.ge [sflag:s29], $0x1  }
0xb4: {  	[sflag:s29] =	ssyncadd.s32 $0xFFFFFFFF  }
0xb5: {  	_ =	strace $0x90000048  }
0xb6: {  	_ =	sfence  }
0xb7: {  	s30 =	sld [smem:$0x0];
	_ =	sdelay $0x2  }
0xb8: {  	s31 =	sshll.u32 s1, $0xD;
	s1 =	sshrl.u32 s1, $0x2  }
0xb9: {  	s3 =	sand.u32 $0x4000, s31;
	s1 =	sadd.s32 s1, s30  }
0xba: {  	s0 =	sor.u32 s3, s0;
	s1 =	sshll.u32 s1, $0x11  }
0xbb: {  	s0 =	sor.u32 s1, s0  }
0xbc: {  	s0 =	sadd.s32 $0x8F2B, s0  }
0xbd: {  	[sflag:s0] =	ssyncadd.remote.s32 $0x1  }
0xbe: {  	_ =	sfence.sel $0xFFFF  }
0xbf: {  	[dreg:$0x0] =	wrdreg $0xFFFFFFFF;
	(pc) =	sbr.abs _section_cstart, $3  }
0xc0: {  	[dreg:$0x1] =	wrdreg $0xFFFFFFFF  }
0xc1: {  	_ =	task.clear_ibuf [dreg:s7], $0x2FFFF;
	_ =	strace $0x9FFFFFFF  }
0xc2: {  	(tm) =	ssettm $0x7FFFFFFF  }
0xc3: {  	_ =	shalt  }
tec
execute0_lowered:
.L_overlay_start_1:
0x0: {  	(tag) =	ssettag $0x1  }
0x1: {  	s10 =	stileid.u32  }
0x2: {  	s0 =	srdreg.scid;
	s1 =	smul.u32 $0xC800, s10  }
0x3: {  	s3 =	rddreg [dreg:$0x0];
	s24 =	smul.u32 $0x1900, s10  }
0x4: {  	s4 =	rddreg [dreg:$0x1];
	s0 =	sand.u32 $0x1, s0;
	s10 =	smul.u32 $0xC8000, s10  }
0x5: {  	s28 =	simm.s32 $0x16;
	s30 =	simm.s32 $0x17;
	s2 =	smul.u32 $0x6400, s0  }
0x6: {  	s8 =	sadd.s32 $0x800, s3;
	s19 =	ssub.s32 $0x2, s0;
	s25 =	smul.u32 $0xC80, s0  }
0x7: {  	s0 =	smul.u32 $0x64000, s0;
	s21 =	sshrl.u32 s19, $0x1;
	s1 =	sadd.s32 s2, s1  }
0x8: {  	s2 =	simm.s32 $0x0;
	s29 =	ssub.s32 s19, s21;
	s19 =	simm.s32 $0x12  }
0x9: {  	s21 =	simm.s32 $0x13;
	s5 =	sadd.s32 $0x578, s1;
	[smem:$0x7FF] =	sst s2  }
0xa: {  	s7 =	sadd.s32 $0x4B0, s1;
	s13 =	sor.u32 $0x3E8, s1;
	s14 =	sor.u32 $0x320, s1  }
0xb: {  	s16 =	sor.u32 $0x258, s1;
	s22 =	sor.u32 $0x190, s1;
	s1 =	sor.u32 $0xC8, s1  }
0xc: {  	s31 =	smax.u32 s29, $0x1;
	_ =	strace $0x80000047;
	[dreg:$0x13] =	wrdreg s8  }
0xd: {  	s6 =	sshrl.u32 s5, $0x3;
	s7 =	sshrl.u32 s7, $0x3;
	[dreg:$0x14] =	wrdreg s31  }
0xe: {  	s15 =	sshrl.u32 s14, $0x3;
	s8 =	sshrl.u32 s16, $0x3;
	[dreg:$0xc] =	wrdreg s6  }
0xf: {  	s23 =	sshrl.u32 s22, $0x3;
	s14 =	simm.s32 $0xD;
	[dreg:$0xd] =	wrdreg s7  }
0x10: {  	s16 =	simm.s32 $0xF;
	s6 =	sshll.u32 s6, $0x7;
	[dreg:$0xf] =	wrdreg s15  }
0x11: {  	s11 =	sshll.u32 s7, $0x7;
	s7 =	sshll.u32 s15, $0x7;
	[dreg:$0x10] =	wrdreg s8  }
0x12: {  	s18 =	sshll.u32 s8, $0x7;
	[dreg:$0x11] =	wrdreg s23;
	s8 =	sshll.u32 s23, $0x7  }
0x13: {  	s15 =	simm.s32 $0xE;
	s23 =	simm.s32 $0x14;
	s9 =	sadd.s32 s6, s4  }
0x14: {  	s12 =	sadd.s32 s11, s4;
	s6 =	sshrl.u32 s13, $0x3;
	[dreg:$0x3] =	wrdreg s9  }
0x15: {  	s17 =	sadd.s32 s7, s4;
	s20 =	sadd.s32 s18, s4;
	[dreg:$0x4] =	wrdreg s12  }
0x16: {  	s8 =	sadd.s32 s8, s4;
	s11 =	sadd.s32 $0xF5BC00, s3;
	[dreg:$0xe] =	wrdreg s6  }
0x17: {  	s13 =	simm.s32 $0xC8;
	s7 =	simm.s32 $0x80;
	[dreg:$0x6] =	wrdreg s17  }
0x18: {  	s18 =	simm.s32 $0x11;
	s6 =	sshll.u32 s6, $0x7;
	[dreg:$0x7] =	wrdreg s20  }
0x19: {  	s9 =	sshrl.u32 s1, $0x3;
	[dreg:$0x8] =	wrdreg s8;
	s1 =	sadd.s32 s25, s24  }
0x1a: {  	s17 =	simm.s32 $0x10;
	s25 =	simm.s32 $0x15;
	[dreg:$0x12] =	wrdreg s9  }
0x1b: {  	s6 =	sadd.s32 s6, s4;
	s9 =	sshll.u32 s9, $0x7;
	[dreg:$0xa] =	wrdreg s1  }
0x1c: {  	[dreg:$0x5] =	wrdreg s6;
	s26 =	sadd.s32 s9, s4;
	s4 =	sadd.s32 s10, s4  }
0x1d: {  	s1 =	simm.s32 $0x18;
	[dreg:$0x9] =	wrdreg s26;
	s0 =	sadd.s32 s0, s4  }
0x1e: {  	s6 =	simm.s32 $0x40;
	[dreg:$0xb] =	wrdreg s0;
	s0 =	simm.s32 $0x0  }
.LBB2_1:
0x1f: {  	[dreg:$0x15] =	wrdreg s0  }
0x20: {  	s3 =	rddreg [dreg:$0xa]  }
0x21: {  	s20 =	rddreg [dreg:$0x13]  }
0x22: {  	s10 =	rddreg [dreg:$0x12];
	s3 =	sadd.s32 s20, s3  }
0x23: {  	[tilespmem:s2], [sflag:$0x1] =	stream.linear.gather [hbm4b:s3+s2], $0xC8, $0x38;
	[tilespmem:$0x19640] =	vst v63  }
0x24: {  	s12 =	rddreg [dreg:$0x11];
	s3 =	sadd.s32 s20, s10  }
0x25: {  	[tilespmem:s13], [sflag:$0x2] =	stream.linear.gather [hbm4b:s3+s2], $0xC8, $0x38;
	[tilespmem:$0x19640] =	vst v63  }
0x26: {  	s22 =	rddreg [dreg:$0x10];
	s3 =	sadd.s32 s20, s12;
	s12 =	simm.s32 $0x190  }
0x27: {  	[tilespmem:s12], [sflag:$0x3] =	stream.linear.gather [hbm4b:s3+s2], $0xC8, $0x38;
	[tilespmem:$0x19640] =	vst v63  }
0x28: {  	s24 =	rddreg [dreg:$0xf];
	s3 =	sadd.s32 s20, s22;
	s22 =	simm.s32 $0x258  }
0x29: {  	[tilespmem:s22], [sflag:$0x4] =	stream.linear.gather [hbm4b:s3+s2], $0xC8, $0x38;
	[tilespmem:$0x19640] =	vst v63  }
0x2a: {  	s26 =	rddreg [dreg:$0xe];
	s3 =	sadd.s32 s20, s24;
	s24 =	simm.s32 $0x320  }
0x2b: {  	[tilespmem:s24], [sflag:$0x5] =	stream.linear.gather [hbm4b:s3+s2], $0xC8, $0x38;
	[tilespmem:$0x19640] =	vst v63  }
0x2c: {  	s29 =	rddreg [dreg:$0xd];
	s3 =	sadd.s32 s20, s26;
	s26 =	simm.s32 $0x3E8  }
0x2d: {  	[tilespmem:s26], [sflag:$0x6] =	stream.linear.gather [hbm4b:s3+s2], $0xC8, $0x38;
	[tilespmem:$0x19640] =	vst v63  }
0x2e: {  	s31 =	simm.s32 $0x4B0;
	s5 =	rddreg [dreg:$0xc];
	s3 =	sadd.s32 s20, s29  }
0x2f: {  	[tilespmem:s31], [sflag:$0x7] =	stream.linear.gather [hbm4b:s3+s2], $0xC8, $0x38;
	[tilespmem:$0x19640] =	vst v63  }
0x30: {  	s4 =	simm.s32 $0x578;
	s8 =	simm.s32 $0x1;
	s3 =	sadd.s32 s20, s5  }
0x31: {  	[tilespmem:s4], [sflag:$0x8] =	stream.linear.gather [hbm4b:s3+s2], $0xC8, $0x38;
	[tilespmem:$0x19640] =	vst v63  }
0x32: {  	_ =	swait.ge [sflag:s8], $0xC8  }
0x33: {  	[sflag:s8] =	ssyncset.done $0x0  }
0x34: {  	s9 =	simm.s32 $0x2;
	s5 =	simm.s32 $0x640;
	[sflag:s8] =	ssyncadd.s32 $0xFFFFFF38  }
0x35: {  	[tilespmem:s5], [sflag:$0x9] =	stream.indirect.gather [hbm4b:s11+s13], $0x40, s2, s13, $0xb8;
	[tilespmem:$0x19640] =	vst v63  }
0x36: {  	_ =	swait.ge [sflag:s9], $0xC8  }
0x37: {  	[sflag:s9] =	ssyncset.done $0x0  }
0x38: {  	s10 =	simm.s32 $0x3;
	s8 =	simm.s32 $0x3840;
	[sflag:s9] =	ssyncadd.s32 $0xFFFFFF38  }
0x39: {  	[tilespmem:s8], [sflag:$0xA] =	stream.indirect.gather [hbm4b:s11+s13], $0x40, s13, s13, $0xb8;
	[tilespmem:$0x19640] =	vst v63  }
0x3a: {  	_ =	swait.ge [sflag:s10], $0xC8  }
0x3b: {  	[sflag:s10] =	ssyncset.done $0x0  }
0x3c: {  	s9 =	simm.s32 $0x6A40;
	[sflag:s10] =	ssyncadd.s32 $0xFFFFFF38  }
0x3d: {  	[tilespmem:s9], [sflag:$0xB] =	stream.indirect.gather [hbm4b:s11+s13], $0x40, s12, s13, $0xb8;
	[tilespmem:$0x19640] =	vst v63  }
0x3e: {  	s12 =	simm.s32 $0x4  }
0x3f: {  	_ =	swait.ge [sflag:s12], $0xC8  }
0x40: {  	[sflag:s12] =	ssyncset.done $0x0  }
0x41: {  	s10 =	simm.s32 $0x9C40;
	[sflag:s12] =	ssyncadd.s32 $0xFFFFFF38  }
0x42: {  	[tilespmem:s10], [sflag:$0xC] =	stream.indirect.gather [hbm4b:s11+s13], $0x40, s22, s13, $0xb8;
	[tilespmem:$0x19640] =	vst v63  }
0x43: {  	s22 =	simm.s32 $0x5  }
0x44: {  	_ =	swait.ge [sflag:s22], $0xC8  }
0x45: {  	[sflag:s22] =	ssyncset.done $0x0  }
0x46: {  	s12 =	simm.s32 $0xCE40;
	[sflag:s22] =	ssyncadd.s32 $0xFFFFFF38  }
0x47: {  	[tilespmem:s12], [sflag:$0xD] =	stream.indirect.gather [hbm4b:s11+s13], $0x40, s24, s13, $0xb8;
	[tilespmem:$0x19640] =	vst v63  }
0x48: {  	s24 =	simm.s32 $0x6  }
0x49: {  	_ =	swait.ge [sflag:s24], $0xC8  }
0x4a: {  	[sflag:s24] =	ssyncset.done $0x0  }
0x4b: {  	s29 =	simm.s32 $0x7;
	s22 =	simm.s32 $0x10040;
	[sflag:s24] =	ssyncadd.s32 $0xFFFFFF38  }
0x4c: {  	[tilespmem:s22], [sflag:$0xE] =	stream.indirect.gather [hbm4b:s11+s13], $0x40, s26, s13, $0xb8;
	[tilespmem:$0x19640] =	vst v63  }
0x4d: {  	_ =	swait.ge [sflag:s29], $0xC8  }
0x4e: {  	[sflag:s29] =	ssyncset.done $0x0  }
0x4f: {  	s24 =	simm.s32 $0x13240;
	[sflag:s29] =	ssyncadd.s32 $0xFFFFFF38  }
0x50: {  	[tilespmem:s24], [sflag:$0xF] =	stream.indirect.gather [hbm4b:s11+s13], $0x40, s31, s13, $0xb8;
	[tilespmem:$0x19640] =	vst v63  }
0x51: {  	s31 =	simm.s32 $0x8  }
0x52: {  	_ =	swait.ge [sflag:s31], $0xC8  }
0x53: {  	[sflag:s31] =	ssyncset.done $0x0  }
0x54: {  	s0 =	simm.s32 $0x16440;
	s3 =	simm.s32 $0x9;
	[sflag:s31] =	ssyncadd.s32 $0xFFFFFF38  }
0x55: {  	[tilespmem:s0], [sflag:$0x10] =	stream.indirect.gather [hbm4b:s11+s13], $0x40, s4, s13, $0xb8;
	[tilespmem:$0x19640] =	vst v63  }
0x56: {  	_ =	swait.ge [sflag:s3], $0x3200  }
0x57: {  	s26 =	rddreg [dreg:$0xb];
	[sflag:s3] =	ssyncset.done $0x0  }
0x58: {  	s29 =	simm.s32 $0xA;
	[sflag:s3] =	ssyncadd.s32 $0xFFFFCE00;
	s3 =	sadd.s32 $0x0, s26  }
0x59: {  	[hbm4b:s3+s6] =	stream.strided.scatter [tilespmem:s5], [sflag:$0x11], $0x3200, s7, s6, $0x38;
	[tilespmem:$0x19640] =	vst v63  }
0x5a: {  	_ =	swait.ge [sflag:s29], $0x3200  }
0x5b: {  	s31 =	rddreg [dreg:$0x9];
	[sflag:s29] =	ssyncset.done $0x0  }
0x5c: {  	[sflag:s29] =	ssyncadd.s32 $0xFFFFCE00;
	s3 =	sadd.s32 $0x0, s31  }
0x5d: {  	[hbm4b:s3+s6] =	stream.strided.scatter [tilespmem:s8], [sflag:$0x12], $0x3200, s7, s6, $0x38;
	[tilespmem:$0x19640] =	vst v63  }
0x5e: {  	s3 =	simm.s32 $0xB  }
0x5f: {  	_ =	swait.ge [sflag:s3], $0x3200  }
0x60: {  	s5 =	rddreg [dreg:$0x8];
	[sflag:s3] =	ssyncset.done $0x0  }
0x61: {  	s8 =	simm.s32 $0xC;
	[sflag:s3] =	ssyncadd.s32 $0xFFFFCE00;
	s3 =	sadd.s32 $0x0, s5  }
0x62: {  	[hbm4b:s3+s6] =	stream.strided.scatter [tilespmem:s9], [sflag:$0x13], $0x3200, s7, s6, $0x38;
	[tilespmem:$0x19640] =	vst v63  }
0x63: {  	_ =	swait.ge [sflag:s8], $0x3200  }
0x64: {  	s9 =	rddreg [dreg:$0x7];
	[sflag:s8] =	ssyncset.done $0x0  }
0x65: {  	[sflag:s8] =	ssyncadd.s32 $0xFFFFCE00;
	s3 =	sadd.s32 $0x0, s9  }
0x66: {  	[hbm4b:s3+s6] =	stream.strided.scatter [tilespmem:s10], [sflag:$0x14], $0x3200, s7, s6, $0x38;
	[tilespmem:$0x19640] =	vst v63  }
0x67: {  	_ =	swait.ge [sflag:s14], $0x3200  }
0x68: {  	s10 =	rddreg [dreg:$0x6];
	[sflag:s14] =	ssyncset.done $0x0  }
0x69: {  	[sflag:s14] =	ssyncadd.s32 $0xFFFFCE00;
	s3 =	sadd.s32 $0x0, s10  }
0x6a: {  	[hbm4b:s3+s6] =	stream.strided.scatter [tilespmem:s12], [sflag:$0x15], $0x3200, s7, s6, $0x38;
	[tilespmem:$0x19640] =	vst v63  }
0x6b: {  	_ =	swait.ge [sflag:s15], $0x3200  }
0x6c: {  	s26 =	rddreg [dreg:$0x5];
	[sflag:s15] =	ssyncset.done $0x0  }
0x6d: {  	[sflag:s15] =	ssyncadd.s32 $0xFFFFCE00;
	s3 =	sadd.s32 $0x0, s26  }
0x6e: {  	[hbm4b:s3+s6] =	stream.strided.scatter [tilespmem:s22], [sflag:$0x16], $0x3200, s7, s6, $0x38;
	[tilespmem:$0x19640] =	vst v63  }
0x6f: {  	_ =	swait.ge [sflag:s16], $0x3200  }
0x70: {  	s29 =	rddreg [dreg:$0x4];
	[sflag:s16] =	ssyncset.done $0x0  }
0x71: {  	[sflag:s16] =	ssyncadd.s32 $0xFFFFCE00;
	s3 =	sadd.s32 $0x0, s29  }
0x72: {  	[hbm4b:s3+s6] =	stream.strided.scatter [tilespmem:s24], [sflag:$0x17], $0x3200, s7, s6, $0x38;
	[tilespmem:$0x19640] =	vst v63  }
0x73: {  	_ =	swait.ge [sflag:s17], $0x3200  }
0x74: {  	s31 =	rddreg [dreg:$0x3];
	[sflag:s17] =	ssyncset.done $0x0  }
0x75: {  	[sflag:s17] =	ssyncadd.s32 $0xFFFFCE00;
	s3 =	sadd.s32 $0x0, s31  }
0x76: {  	[hbm4b:s3+s6] =	stream.strided.scatter [tilespmem:s0], [sflag:$0x18], $0x3200, s7, s6, $0x38;
	[tilespmem:$0x19640] =	vst v63  }
0x77: {  	_ =	swait.ge [sflag:s18], $0x3200  }
0x78: {  	[sflag:s18] =	ssyncset.done $0x0  }
0x79: {  	[sflag:s18] =	ssyncadd.s32 $0xFFFFCE00  }
0x7a: {  	_ =	swait.ge [sflag:s19], $0x3200  }
0x7b: {  	[sflag:s19] =	ssyncset.done $0x0  }
0x7c: {  	[sflag:s19] =	ssyncadd.s32 $0xFFFFCE00  }
0x7d: {  	_ =	swait.ge [sflag:s21], $0x3200  }
0x7e: {  	[sflag:s21] =	ssyncset.done $0x0  }
0x7f: {  	[sflag:s21] =	ssyncadd.s32 $0xFFFFCE00  }
0x80: {  	_ =	swait.ge [sflag:s23], $0x3200  }
0x81: {  	[sflag:s23] =	ssyncset.done $0x0  }
0x82: {  	[sflag:s23] =	ssyncadd.s32 $0xFFFFCE00  }
0x83: {  	_ =	swait.ge [sflag:s25], $0x3200  }
0x84: {  	[sflag:s25] =	ssyncset.done $0x0  }
0x85: {  	[sflag:s25] =	ssyncadd.s32 $0xFFFFCE00  }
0x86: {  	_ =	swait.ge [sflag:s28], $0x3200  }
0x87: {  	[sflag:s28] =	ssyncset.done $0x0  }
0x88: {  	[sflag:s28] =	ssyncadd.s32 $0xFFFFCE00  }
0x89: {  	_ =	swait.ge [sflag:s30], $0x3200  }
0x8a: {  	[sflag:s30] =	ssyncset.done $0x0  }
0x8b: {  	[sflag:s30] =	ssyncadd.s32 $0xFFFFCE00  }
0x8c: {  	s12 =	simm.s32 $0x6400;
	_ =	swait.ge [sflag:s1], $0x3200  }
0x8d: {  	s3 =	simm.s32 $0xC800;
	s24 =	rddreg [dreg:$0xa];
	[sflag:s1] =	ssyncset.done $0x0  }
.LBB2_2:
0x8e: {  	s20 =	sadd.s32 $0xC8, s20  }
0x8f: {  	[sflag:s1] =	ssyncadd.s32 $0xFFFFCE00;
	s0 =	rddreg [dreg:$0x12];
	s24 =	sadd.s32 s20, s24  }
0x90: {  	[tilespmem:s2], [sflag:$0x1] =	stream.linear.gather [hbm4b:s24+s2], $0xC8, $0x38;
	[tilespmem:$0x19640] =	vst v63  }
0x91: {  	s4 =	rddreg [dreg:$0x11];
	s24 =	sadd.s32 s20, s0  }
0x92: {  	[tilespmem:s13], [sflag:$0x2] =	stream.linear.gather [hbm4b:s24+s2], $0xC8, $0x38;
	[tilespmem:$0x19640] =	vst v63  }
0x93: {  	s26 =	simm.s32 $0x190;
	s5 =	rddreg [dreg:$0x10];
	s24 =	sadd.s32 s20, s4  }
0x94: {  	[tilespmem:s26], [sflag:$0x3] =	stream.linear.gather [hbm4b:s24+s2], $0xC8, $0x38;
	[tilespmem:$0x19640] =	vst v63  }
0x95: {  	s29 =	simm.s32 $0x258;
	s8 =	rddreg [dreg:$0xf];
	s24 =	sadd.s32 s20, s5  }
0x96: {  	[tilespmem:s29], [sflag:$0x4] =	stream.linear.gather [hbm4b:s24+s2], $0xC8, $0x38;
	[tilespmem:$0x19640] =	vst v63  }
0x97: {  	s31 =	simm.s32 $0x320;
	s9 =	rddreg [dreg:$0xe];
	s24 =	sadd.s32 s20, s8  }
0x98: {  	[tilespmem:s31], [sflag:$0x5] =	stream.linear.gather [hbm4b:s24+s2], $0xC8, $0x38;
	[tilespmem:$0x19640] =	vst v63  }
0x99: {  	s10 =	rddreg [dreg:$0xd];
	s0 =	simm.s32 $0x3E8;
	s24 =	sadd.s32 s20, s9  }
0x9a: {  	[tilespmem:s0], [sflag:$0x6] =	stream.linear.gather [hbm4b:s24+s2], $0xC8, $0x38;
	[tilespmem:$0x19640] =	vst v63  }
0x9b: {  	s4 =	rddreg [dreg:$0xc];
	s5 =	simm.s32 $0x4B0;
	s24 =	sadd.s32 s20, s10  }
0x9c: {  	[tilespmem:s5], [sflag:$0x7] =	stream.linear.gather [hbm4b:s24+s2], $0xC8, $0x38;
	[tilespmem:$0x19640] =	vst v63  }
0x9d: {  	s8 =	simm.s32 $0x1;
	s24 =	sadd.s32 s20, s4;
	s4 =	simm.s32 $0x578  }
0x9e: {  	[tilespmem:s4], [sflag:$0x8] =	stream.linear.gather [hbm4b:s24+s2], $0xC8, $0x38;
	[tilespmem:$0x19640] =	vst v63  }
0x9f: {  	_ =	swait.ge [sflag:s8], $0xC8  }
0xa0: {  	[sflag:s8] =	ssyncset.done $0x0  }
0xa1: {  	s9 =	simm.s32 $0x2;
	[sflag:s8] =	ssyncadd.s32 $0xFFFFFF38;
	s8 =	simm.s32 $0x640  }
0xa2: {  	[tilespmem:s8], [sflag:$0x9] =	stream.indirect.gather [hbm4b:s11+s13], $0x40, s2, s13, $0xb8;
	[tilespmem:$0x19640] =	vst v63  }
0xa3: {  	_ =	swait.ge [sflag:s9], $0xC8  }
0xa4: {  	[sflag:s9] =	ssyncset.done $0x0  }
0xa5: {  	s10 =	simm.s32 $0x3;
	[sflag:s9] =	ssyncadd.s32 $0xFFFFFF38;
	s9 =	simm.s32 $0x3840  }
0xa6: {  	[tilespmem:s9], [sflag:$0xA] =	stream.indirect.gather [hbm4b:s11+s13], $0x40, s13, s13, $0xb8;
	[tilespmem:$0x19640] =	vst v63  }
0xa7: {  	_ =	swait.ge [sflag:s10], $0xC8  }
0xa8: {  	[sflag:s10] =	ssyncset.done $0x0  }
0xa9: {  	[sflag:s10] =	ssyncadd.s32 $0xFFFFFF38;
	s10 =	simm.s32 $0x6A40  }
0xaa: {  	[tilespmem:s10], [sflag:$0xB] =	stream.indirect.gather [hbm4b:s11+s13], $0x40, s26, s13, $0xb8;
	[tilespmem:$0x19640] =	vst v63  }
0xab: {  	s26 =	simm.s32 $0x4  }
0xac: {  	_ =	swait.ge [sflag:s26], $0xC8  }
0xad: {  	[sflag:s26] =	ssyncset.done $0x0  }
0xae: {  	[sflag:s26] =	ssyncadd.s32 $0xFFFFFF38;
	s26 =	simm.s32 $0x9C40  }
0xaf: {  	[tilespmem:s26], [sflag:$0xC] =	stream.indirect.gather [hbm4b:s11+s13], $0x40, s29, s13, $0xb8;
	[tilespmem:$0x19640] =	vst v63  }
0xb0: {  	s29 =	simm.s32 $0x5  }
0xb1: {  	_ =	swait.ge [sflag:s29], $0xC8  }
0xb2: {  	[sflag:s29] =	ssyncset.done $0x0  }
0xb3: {  	[sflag:s29] =	ssyncadd.s32 $0xFFFFFF38;
	s29 =	simm.s32 $0xCE40  }
0xb4: {  	[tilespmem:s29], [sflag:$0xD] =	stream.indirect.gather [hbm4b:s11+s13], $0x40, s31, s13, $0xb8;
	[tilespmem:$0x19640] =	vst v63  }
0xb5: {  	s31 =	simm.s32 $0x6  }
0xb6: {  	_ =	swait.ge [sflag:s31], $0xC8  }
0xb7: {  	[sflag:s31] =	ssyncset.done $0x0  }
0xb8: {  	s24 =	simm.s32 $0x7;
	[sflag:s31] =	ssyncadd.s32 $0xFFFFFF38;
	s31 =	simm.s32 $0x10040  }
0xb9: {  	[tilespmem:s31], [sflag:$0xE] =	stream.indirect.gather [hbm4b:s11+s13], $0x40, s0, s13, $0xb8;
	[tilespmem:$0x19640] =	vst v63  }
0xba: {  	_ =	swait.ge [sflag:s24], $0xC8  }
0xbb: {  	[sflag:s24] =	ssyncset.done $0x0  }
0xbc: {  	s0 =	simm.s32 $0x13240;
	[sflag:s24] =	ssyncadd.s32 $0xFFFFFF38;
	s24 =	simm.s32 $0x8  }
0xbd: {  	[tilespmem:s0], [sflag:$0xF] =	stream.indirect.gather [hbm4b:s11+s13], $0x40, s5, s13, $0xb8;
	[tilespmem:$0x19640] =	vst v63  }
0xbe: {  	_ =	swait.ge [sflag:s24], $0xC8  }
0xbf: {  	[sflag:s24] =	ssyncset.done $0x0  }
0xc0: {  	s5 =	simm.s32 $0x16440;
	[sflag:s24] =	ssyncadd.s32 $0xFFFFFF38  }
0xc1: {  	[tilespmem:s5], [sflag:$0x10] =	stream.indirect.gather [hbm4b:s11+s13], $0x40, s4, s13, $0xb8;
	[tilespmem:$0x19640] =	vst v63  }
0xc2: {  	s4 =	simm.s32 $0x9  }
0xc3: {  	_ =	swait.ge [sflag:s4], $0x3200  }
0xc4: {  	s24 =	rddreg [dreg:$0xb];
	[sflag:s4] =	ssyncset.done $0x0  }
0xc5: {  	[sflag:s4] =	ssyncadd.s32 $0xFFFFCE00;
	s24 =	sadd.s32 s12, s24  }
0xc6: {  	[hbm4b:s24+s6] =	stream.strided.scatter [tilespmem:s8], [sflag:$0x11], $0x3200, s7, s6, $0x38;
	[tilespmem:$0x19640] =	vst v63  }
0xc7: {  	s24 =	simm.s32 $0xA  }
0xc8: {  	_ =	swait.ge [sflag:s24], $0x3200  }
0xc9: {  	s8 =	rddreg [dreg:$0x9];
	[sflag:s24] =	ssyncset.done $0x0  }
0xca: {  	[sflag:s24] =	ssyncadd.s32 $0xFFFFCE00;
	s24 =	sadd.s32 s12, s8;
	s8 =	simm.s32 $0xB  }
0xcb: {  	[hbm4b:s24+s6] =	stream.strided.scatter [tilespmem:s9], [sflag:$0x12], $0x3200, s7, s6, $0x38;
	[tilespmem:$0x19640] =	vst v63  }
0xcc: {  	_ =	swait.ge [sflag:s8], $0x3200  }
0xcd: {  	s9 =	rddreg [dreg:$0x8];
	[sflag:s8] =	ssyncset.done $0x0  }
0xce: {  	[sflag:s8] =	ssyncadd.s32 $0xFFFFCE00;
	s24 =	sadd.s32 s12, s9;
	s8 =	simm.s32 $0xC  }
0xcf: {  	[hbm4b:s24+s6] =	stream.strided.scatter [tilespmem:s10], [sflag:$0x13], $0x3200, s7, s6, $0x38;
	[tilespmem:$0x19640] =	vst v63  }
0xd0: {  	_ =	swait.ge [sflag:s8], $0x3200  }
0xd1: {  	s9 =	rddreg [dreg:$0x7];
	[sflag:s8] =	ssyncset.done $0x0  }
0xd2: {  	[sflag:s8] =	ssyncadd.s32 $0xFFFFCE00;
	s24 =	sadd.s32 s12, s9  }
0xd3: {  	[hbm4b:s24+s6] =	stream.strided.scatter [tilespmem:s26], [sflag:$0x14], $0x3200, s7, s6, $0x38;
	[tilespmem:$0x19640] =	vst v63  }
0xd4: {  	_ =	swait.ge [sflag:s14], $0x3200  }
0xd5: {  	s10 =	rddreg [dreg:$0x6];
	[sflag:s14] =	ssyncset.done $0x0  }
0xd6: {  	[sflag:s14] =	ssyncadd.s32 $0xFFFFCE00;
	s24 =	sadd.s32 s12, s10  }
0xd7: {  	[hbm4b:s24+s6] =	stream.strided.scatter [tilespmem:s29], [sflag:$0x15], $0x3200, s7, s6, $0x38;
	[tilespmem:$0x19640] =	vst v63  }
0xd8: {  	_ =	swait.ge [sflag:s15], $0x3200  }
0xd9: {  	s26 =	rddreg [dreg:$0x5];
	[sflag:s15] =	ssyncset.done $0x0  }
0xda: {  	[sflag:s15] =	ssyncadd.s32 $0xFFFFCE00;
	s24 =	sadd.s32 s12, s26  }
0xdb: {  	[hbm4b:s24+s6] =	stream.strided.scatter [tilespmem:s31], [sflag:$0x16], $0x3200, s7, s6, $0x38;
	[tilespmem:$0x19640] =	vst v63  }
0xdc: {  	_ =	swait.ge [sflag:s16], $0x3200  }
0xdd: {  	s29 =	rddreg [dreg:$0x4];
	[sflag:s16] =	ssyncset.done $0x0  }
0xde: {  	[sflag:s16] =	ssyncadd.s32 $0xFFFFCE00;
	s24 =	sadd.s32 s12, s29  }
0xdf: {  	[hbm4b:s24+s6] =	stream.strided.scatter [tilespmem:s0], [sflag:$0x17], $0x3200, s7, s6, $0x38;
	[tilespmem:$0x19640] =	vst v63  }
0xe0: {  	_ =	swait.ge [sflag:s17], $0x3200  }
0xe1: {  	s31 =	rddreg [dreg:$0x3];
	[sflag:s17] =	ssyncset.done $0x0  }
0xe2: {  	[sflag:s17] =	ssyncadd.s32 $0xFFFFCE00;
	s24 =	sadd.s32 s12, s31  }
0xe3: {  	[hbm4b:s24+s6] =	stream.strided.scatter [tilespmem:s5], [sflag:$0x18], $0x3200, s7, s6, $0x38;
	[tilespmem:$0x19640] =	vst v63  }
0xe4: {  	_ =	swait.ge [sflag:s18], $0x3200  }
0xe5: {  	[sflag:s18] =	ssyncset.done $0x0  }
0xe6: {  	[sflag:s18] =	ssyncadd.s32 $0xFFFFCE00  }
0xe7: {  	_ =	swait.ge [sflag:s19], $0x3200  }
0xe8: {  	[sflag:s19] =	ssyncset.done $0x0  }
0xe9: {  	[sflag:s19] =	ssyncadd.s32 $0xFFFFCE00  }
0xea: {  	_ =	swait.ge [sflag:s21], $0x3200  }
0xeb: {  	[sflag:s21] =	ssyncset.done $0x0  }
0xec: {  	[sflag:s21] =	ssyncadd.s32 $0xFFFFCE00  }
0xed: {  	_ =	swait.ge [sflag:s23], $0x3200  }
0xee: {  	[sflag:s23] =	ssyncset.done $0x0  }
0xef: {  	[sflag:s23] =	ssyncadd.s32 $0xFFFFCE00  }
0xf0: {  	_ =	swait.ge [sflag:s25], $0x3200  }
0xf1: {  	[sflag:s25] =	ssyncset.done $0x0  }
0xf2: {  	[sflag:s25] =	ssyncadd.s32 $0xFFFFCE00  }
0xf3: {  	_ =	swait.ge [sflag:s28], $0x3200  }
0xf4: {  	[sflag:s28] =	ssyncset.done $0x0  }
0xf5: {  	p0 =	sne.s32 s3, $0x5DC00;
	[sflag:s28] =	ssyncadd.s32 $0xFFFFCE00  }
.Ltmp0:
0xf6: {  	_ =	swait.ge [sflag:s30], $0x3200;
	(pc) =	sbr.rel @p0 .LBB2_2-.Ltmp0, $4  }
0xf7: {  	[sflag:s30] =	ssyncset.done $0x0  }
0xf8: {  	[sflag:s30] =	ssyncadd.s32 $0xFFFFCE00  }
0xf9: {  	s22 =	smov.u32 s3;
	s3 =	sadd.s32 $0x6400, s3;
	_ =	swait.ge [sflag:s1], $0x3200  }
0xfa: {  	s12 =	smov.u32 s22;
	s24 =	rddreg [dreg:$0xa];
	[sflag:s1] =	ssyncset.done $0x0  }
0xfb: {  	s3 =	sadd.s32 $0xC8, s20  }
0xfc: {  	[sflag:s1] =	ssyncadd.s32 $0xFFFFCE00;
	s20 =	sadd.s32 s3, s24;
	s24 =	rddreg [dreg:$0x12]  }
0xfd: {  	[tilespmem:s2], [sflag:$0x1] =	stream.linear.gather [hbm4b:s20+s2], $0xC8, $0x38;
	[tilespmem:$0x19640] =	vst v63  }
0xfe: {  	s26 =	rddreg [dreg:$0x11];
	s20 =	sadd.s32 s3, s24  }
0xff: {  	[tilespmem:s13], [sflag:$0x2] =	stream.linear.gather [hbm4b:s20+s2], $0xC8, $0x38;
	[tilespmem:$0x19640] =	vst v63  }
0x100: {  	s22 =	simm.s32 $0x190;
	s29 =	rddreg [dreg:$0x10];
	s20 =	sadd.s32 s3, s26  }
0x101: {  	[tilespmem:s22], [sflag:$0x3] =	stream.linear.gather [hbm4b:s20+s2], $0xC8, $0x38;
	[tilespmem:$0x19640] =	vst v63  }
0x102: {  	s31 =	simm.s32 $0x258;
	s0 =	rddreg [dreg:$0xf];
	s20 =	sadd.s32 s3, s29  }
0x103: {  	[tilespmem:s31], [sflag:$0x4] =	stream.linear.gather [hbm4b:s20+s2], $0xC8, $0x38;
	[tilespmem:$0x19640] =	vst v63  }
0x104: {  	s4 =	rddreg [dreg:$0xe];
	s26 =	simm.s32 $0x320;
	s20 =	sadd.s32 s3, s0  }
0x105: {  	[tilespmem:s26], [sflag:$0x5] =	stream.linear.gather [hbm4b:s20+s2], $0xC8, $0x38;
	[tilespmem:$0x19640] =	vst v63  }
0x106: {  	s5 =	rddreg [dreg:$0xd];
	s0 =	simm.s32 $0x3E8;
	s20 =	sadd.s32 s3, s4  }
0x107: {  	[tilespmem:s0], [sflag:$0x6] =	stream.linear.gather [hbm4b:s20+s2], $0xC8, $0x38;
	[tilespmem:$0x19640] =	vst v63  }
0x108: {  	s8 =	rddreg [dreg:$0xc];
	s20 =	sadd.s32 s3, s5;
	s5 =	simm.s32 $0x4B0  }
0x109: {  	[tilespmem:s5], [sflag:$0x7] =	stream.linear.gather [hbm4b:s20+s2], $0xC8, $0x38;
	[tilespmem:$0x19640] =	vst v63  }
0x10a: {  	s9 =	simm.s32 $0x1;
	s4 =	simm.s32 $0x578;
	s3 =	sadd.s32 s3, s8  }
0x10b: {  	[tilespmem:s4], [sflag:$0x8] =	stream.linear.gather [hbm4b:s3+s2], $0xC8, $0x38;
	[tilespmem:$0x19640] =	vst v63  }
0x10c: {  	_ =	swait.ge [sflag:s9], $0xC8  }
0x10d: {  	[sflag:s9] =	ssyncset.done $0x0  }
0x10e: {  	s10 =	simm.s32 $0x2;
	s8 =	simm.s32 $0x640;
	[sflag:s9] =	ssyncadd.s32 $0xFFFFFF38  }
0x10f: {  	[tilespmem:s8], [sflag:$0x9] =	stream.indirect.gather [hbm4b:s11+s13], $0x40, s2, s13, $0xb8;
	[tilespmem:$0x19640] =	vst v63  }
0x110: {  	_ =	swait.ge [sflag:s10], $0xC8  }
0x111: {  	[sflag:s10] =	ssyncset.done $0x0  }
0x112: {  	s20 =	simm.s32 $0x3;
	s9 =	simm.s32 $0x3840;
	[sflag:s10] =	ssyncadd.s32 $0xFFFFFF38  }
0x113: {  	[tilespmem:s9], [sflag:$0xA] =	stream.indirect.gather [hbm4b:s11+s13], $0x40, s13, s13, $0xb8;
	[tilespmem:$0x19640] =	vst v63  }
0x114: {  	_ =	swait.ge [sflag:s20], $0xC8  }
0x115: {  	[sflag:s20] =	ssyncset.done $0x0  }
0x116: {  	s10 =	simm.s32 $0x6A40;
	[sflag:s20] =	ssyncadd.s32 $0xFFFFFF38  }
0x117: {  	[tilespmem:s10], [sflag:$0xB] =	stream.indirect.gather [hbm4b:s11+s13], $0x40, s22, s13, $0xb8;
	[tilespmem:$0x19640] =	vst v63  }
0x118: {  	s22 =	simm.s32 $0x4  }
0x119: {  	_ =	swait.ge [sflag:s22], $0xC8  }
0x11a: {  	[sflag:s22] =	ssyncset.done $0x0  }
0x11b: {  	s24 =	simm.s32 $0x5;
	s20 =	simm.s32 $0x9C40;
	[sflag:s22] =	ssyncadd.s32 $0xFFFFFF38  }
0x11c: {  	[tilespmem:s20], [sflag:$0xC] =	stream.indirect.gather [hbm4b:s11+s13], $0x40, s31, s13, $0xb8;
	[tilespmem:$0x19640] =	vst v63  }
0x11d: {  	_ =	swait.ge [sflag:s24], $0xC8  }
0x11e: {  	[sflag:s24] =	ssyncset.done $0x0  }
0x11f: {  	s22 =	simm.s32 $0xCE40;
	[sflag:s24] =	ssyncadd.s32 $0xFFFFFF38  }
0x120: {  	[tilespmem:s22], [sflag:$0xD] =	stream.indirect.gather [hbm4b:s11+s13], $0x40, s26, s13, $0xb8;
	[tilespmem:$0x19640] =	vst v63  }
0x121: {  	s26 =	simm.s32 $0x6  }
0x122: {  	_ =	swait.ge [sflag:s26], $0xC8  }
0x123: {  	[sflag:s26] =	ssyncset.done $0x0  }
0x124: {  	s29 =	simm.s32 $0x7;
	s24 =	simm.s32 $0x10040;
	[sflag:s26] =	ssyncadd.s32 $0xFFFFFF38  }
0x125: {  	[tilespmem:s24], [sflag:$0xE] =	stream.indirect.gather [hbm4b:s11+s13], $0x40, s0, s13, $0xb8;
	[tilespmem:$0x19640] =	vst v63  }
0x126: {  	_ =	swait.ge [sflag:s29], $0xC8  }
0x127: {  	[sflag:s29] =	ssyncset.done $0x0  }
0x128: {  	s31 =	simm.s32 $0x8;
	s0 =	simm.s32 $0x13240;
	[sflag:s29] =	ssyncadd.s32 $0xFFFFFF38  }
0x129: {  	[tilespmem:s0], [sflag:$0xF] =	stream.indirect.gather [hbm4b:s11+s13], $0x40, s5, s13, $0xb8;
	[tilespmem:$0x19640] =	vst v63  }
0x12a: {  	_ =	swait.ge [sflag:s31], $0xC8  }
0x12b: {  	[sflag:s31] =	ssyncset.done $0x0  }
0x12c: {  	s3 =	simm.s32 $0x9;
	s5 =	simm.s32 $0x16440;
	[sflag:s31] =	ssyncadd.s32 $0xFFFFFF38  }
0x12d: {  	[tilespmem:s5], [sflag:$0x10] =	stream.indirect.gather [hbm4b:s11+s13], $0x40, s4, s13, $0xb8;
	[tilespmem:$0x19640] =	vst v63  }
0x12e: {  	_ =	swait.ge [sflag:s3], $0x3200  }
0x12f: {  	s26 =	rddreg [dreg:$0xb];
	[sflag:s3] =	ssyncset.done $0x0  }
0x130: {  	s29 =	simm.s32 $0xA;
	[sflag:s3] =	ssyncadd.s32 $0xFFFFCE00;
	s3 =	sadd.s32 s12, s26  }
0x131: {  	[hbm4b:s3+s6] =	stream.strided.scatter [tilespmem:s8], [sflag:$0x11], $0x3200, s7, s6, $0x38;
	[tilespmem:$0x19640] =	vst v63  }
0x132: {  	_ =	swait.ge [sflag:s29], $0x3200  }
0x133: {  	s31 =	rddreg [dreg:$0x9];
	[sflag:s29] =	ssyncset.done $0x0  }
0x134: {  	[sflag:s29] =	ssyncadd.s32 $0xFFFFCE00;
	s3 =	sadd.s32 s12, s31  }
0x135: {  	[hbm4b:s3+s6] =	stream.strided.scatter [tilespmem:s9], [sflag:$0x12], $0x3200, s7, s6, $0x38;
	[tilespmem:$0x19640] =	vst v63  }
0x136: {  	s3 =	simm.s32 $0xB  }
0x137: {  	_ =	swait.ge [sflag:s3], $0x3200  }
0x138: {  	s8 =	rddreg [dreg:$0x8];
	[sflag:s3] =	ssyncset.done $0x0  }
0x139: {  	s9 =	simm.s32 $0xC;
	[sflag:s3] =	ssyncadd.s32 $0xFFFFCE00;
	s3 =	sadd.s32 s12, s8  }
0x13a: {  	[hbm4b:s3+s6] =	stream.strided.scatter [tilespmem:s10], [sflag:$0x13], $0x3200, s7, s6, $0x38;
	[tilespmem:$0x19640] =	vst v63  }
0x13b: {  	_ =	swait.ge [sflag:s9], $0x3200  }
0x13c: {  	s10 =	rddreg [dreg:$0x7];
	[sflag:s9] =	ssyncset.done $0x0  }
0x13d: {  	[sflag:s9] =	ssyncadd.s32 $0xFFFFCE00;
	s3 =	sadd.s32 s12, s10  }
0x13e: {  	[hbm4b:s3+s6] =	stream.strided.scatter [tilespmem:s20], [sflag:$0x14], $0x3200, s7, s6, $0x38;
	[tilespmem:$0x19640] =	vst v63  }
0x13f: {  	_ =	swait.ge [sflag:s14], $0x3200  }
0x140: {  	s20 =	rddreg [dreg:$0x6];
	[sflag:s14] =	ssyncset.done $0x0  }
0x141: {  	[sflag:s14] =	ssyncadd.s32 $0xFFFFCE00;
	s3 =	sadd.s32 s12, s20  }
0x142: {  	[hbm4b:s3+s6] =	stream.strided.scatter [tilespmem:s22], [sflag:$0x15], $0x3200, s7, s6, $0x38;
	[tilespmem:$0x19640] =	vst v63  }
0x143: {  	_ =	swait.ge [sflag:s15], $0x3200  }
0x144: {  	s22 =	rddreg [dreg:$0x5];
	[sflag:s15] =	ssyncset.done $0x0  }
0x145: {  	[sflag:s15] =	ssyncadd.s32 $0xFFFFCE00;
	s3 =	sadd.s32 s12, s22  }
0x146: {  	[hbm4b:s3+s6] =	stream.strided.scatter [tilespmem:s24], [sflag:$0x16], $0x3200, s7, s6, $0x38;
	[tilespmem:$0x19640] =	vst v63  }
0x147: {  	_ =	swait.ge [sflag:s16], $0x3200  }
0x148: {  	s24 =	rddreg [dreg:$0x4];
	[sflag:s16] =	ssyncset.done $0x0  }
0x149: {  	[sflag:s16] =	ssyncadd.s32 $0xFFFFCE00;
	s3 =	sadd.s32 s12, s24  }
0x14a: {  	[hbm4b:s3+s6] =	stream.strided.scatter [tilespmem:s0], [sflag:$0x17], $0x3200, s7, s6, $0x38;
	[tilespmem:$0x19640] =	vst v63  }
0x14b: {  	_ =	swait.ge [sflag:s17], $0x3200  }
0x14c: {  	s26 =	rddreg [dreg:$0x3];
	[sflag:s17] =	ssyncset.done $0x0  }
0x14d: {  	s3 =	sadd.s32 s12, s26;
	[sflag:s17] =	ssyncadd.s32 $0xFFFFCE00  }
0x14e: {  	[hbm4b:s3+s6] =	stream.strided.scatter [tilespmem:s5], [sflag:$0x18], $0x3200, s7, s6, $0x38;
	[tilespmem:$0x19640] =	vst v63  }
0x14f: {  	_ =	swait.ge [sflag:s18], $0x3200  }
0x150: {  	[sflag:s18] =	ssyncset.done $0x0  }
0x151: {  	[sflag:s18] =	ssyncadd.s32 $0xFFFFCE00  }
0x152: {  	_ =	swait.ge [sflag:s19], $0x3200  }
0x153: {  	[sflag:s19] =	ssyncset.done $0x0  }
0x154: {  	[sflag:s19] =	ssyncadd.s32 $0xFFFFCE00  }
0x155: {  	_ =	swait.ge [sflag:s21], $0x3200  }
0x156: {  	[sflag:s21] =	ssyncset.done $0x0  }
0x157: {  	[sflag:s21] =	ssyncadd.s32 $0xFFFFCE00  }
0x158: {  	_ =	swait.ge [sflag:s23], $0x3200  }
0x159: {  	[sflag:s23] =	ssyncset.done $0x0  }
0x15a: {  	[sflag:s23] =	ssyncadd.s32 $0xFFFFCE00  }
0x15b: {  	_ =	swait.ge [sflag:s25], $0x3200  }
0x15c: {  	[sflag:s25] =	ssyncset.done $0x0  }
0x15d: {  	[sflag:s25] =	ssyncadd.s32 $0xFFFFCE00  }
0x15e: {  	_ =	swait.ge [sflag:s28], $0x3200  }
0x15f: {  	[sflag:s28] =	ssyncset.done $0x0  }
0x160: {  	[sflag:s28] =	ssyncadd.s32 $0xFFFFCE00  }
0x161: {  	_ =	swait.ge [sflag:s30], $0x3200  }
0x162: {  	[sflag:s30] =	ssyncset.done $0x0  }
0x163: {  	[sflag:s30] =	ssyncadd.s32 $0xFFFFCE00  }
0x164: {  	_ =	swait.ge [sflag:s1], $0x3200  }
0x165: {  	s29 =	rddreg [dreg:$0x15]  }
0x166: {  	s31 =	rddreg [dreg:$0x14];
	s0 =	sadd.s32 $0x1, s29  }
0x167: {  	p0 =	sne.s32 s0, s31  }
.Ltmp1:
0x168: {  	_ = 	snop;
	(pc) =	sbr.rel @p0 .LBB2_1-.Ltmp1, $3  }
0x169: {  	_ =	sdelay $0x1  }
0x16a: {  	[sflag:s1] =	ssyncset.done $0x0  }
0x16b: {  	[sflag:s1] =	ssyncadd.s32 $0xFFFFCE00  }
0x16c: {  	_ =	sfence.sel $0x180000  }
0x16d: {  	[bflag:$0x0] =	sbarrier.arrive $0xFFFF  }
0x16e: {  	_ =	strace $0x90000047  }
0x16f: {  	s0 =	stileid.u32;
	[bflag:$0x2] =	sbarrier.arrive $0xFFFF  }
0x170: {  	p0 =	sne.s32 s0, $0x0;
	s0 =	rddreg [dreg:$0x2]  }
0x171: {  	s0 =	sadd.s32 @!p0 $0x100000, s0  }
0x172: {  	[sflag:s0] =	ssyncadd.tile.s32 @!p0 $0x1;
	_ =	shalt  }
.Lfunc_end2:
_tile_overlayer_lowered:
.L_overlay_start_2:
0x173: {  	(tag) =	ssettag $0x2  }
0x174: {  	s0 =	rddreg [dreg:$0x0];
	s2 =	stileid.u32  }
0x175: {  	s1 =	rddreg [dreg:$0x1];
	p0 =	sne.s32 s2, $0x0  }
0x176: {  	s3 =	rddreg [dreg:$0x2];
	[bflag:$0x3] =	sbarrier.arrive $0xFFFF;
	s2 =	simm.s32 @!p0 $0x1C19  }
0x177: {  	[timem:s3], [sflag:s2] =	dma.local @!p0 [hbm:s0], s1  }
0x178: {  	s0 =	simm.s32 @!p0 $0x19  }
0x179: {  	_ =	swait.ge @!p0 [sflag:s0], s1  }
0x17a: {  	s1 =	ssub.s32 @!p0 $0x0, s1;
	[sflag:s0] =	ssyncset.done @!p0 $0x0  }
0x17b: {  	[sflag:s0] =	ssyncadd.s32 @!p0 s1  }
0x17c: {  	[bflag:$0x3] =	sbarrier.arrive $0xFFFF  }
0x17d: {  	_ =	shalt  }

// kernel: sparse-core-data-format-call.cloned.1.call-start
scs
called_computation_lowered:
.L_overlay_start_0:
0x0: {  	s2 =	sld [smem:$0x3FD9]  }
0x1: {  	s3 =	sld [smem:$0x3FFE];
	_ =	sdelay $0x1  }
0x2: {  	s1 =	srdreg.scid  }
0x3: {  	s0 =	sand.u32 $0x1, s1  }
0x4: {  	s18 =	sshll.u32 s0, $0xA;
	s2 =	sadd.s32 s3, s2  }
0x5: {  	s2 =	sadd.s32 s2, s18  }
0x6: {  	[smem:$0x3FC6] =	sst s2  }
0x7: {  	_ = 	snop  }
0x8: {  	s2 =	sld [smem:$0x3FD0];
	(tm) =	ssettm $0x1  }
0x9: {  	s19 =	sld [smem:$0x3FFB];
	_ =	sdelay $0x3  }
0xa: {  	_ =	strace s19  }
0xb: {  	s3 =	sld [smem:$0x3FFC];
	_ =	sdelay $0x3  }
0xc: {  	_ =	strace s3  }
0xd: {  	s3 =	sld [smem:$0x3FFD];
	_ =	sdelay $0x3  }
0xe: {  	_ =	strace s3  }
0xf: {  	_ =	strace $0x8FFFFFFF  }
0x10: {  	s20 =	sld [smem:$0x3FDB];
	_ =	sdelay $0x1  }
0x11: {  	s4 =	simm.s32 $_scs_section_size  }
0x12: {  	s5 =	simm.s32 $_size__tile_overlayer_lowered;
	s6 =	simm.s32 $_tile_overlayer_lowered  }
0x13: {  	s23 =	simm.s32 $0x1BFF;
	s22 =	sshll.u32 s6, $0x1;
	s3 =	sadd.s32 s4, s20  }
0x14: {  	s7 =	simm.s32 $0x0;
	s21 =	sshll.u32 s5, $0x1;
	s5 =	sadd.s32 s22, s3  }
0x15: {  	[timem:s7], [sflag:s23] =	dma.local [hbm:s5], s21  }
0x16: {  	_ =	swait.ge [sflag:s23], s21  }
0x17: {  	s4 =	ssub.s32 $0x0, s21;
	[sflag:s23] =	ssyncset.done $0x0  }
0x18: {  	[sflag:s23] =	ssyncadd.s32 s4;
	_ =	sdelay $0x1  }
0x19: {  	s24 =	simm.s32 $0x1B8B  }
0x1a: {  	_ =	swait.ge [sflag:s24], $0x1  }
0x1b: {  	[sflag:s24] =	ssyncset.done $0x0  }
0x1c: {  	s26 =	simm.s32 $0x1B8E;
	s25 =	sld [smem:$0x3FFE];
	[sflag:s24] =	ssyncadd.s32 $0xFFFFFFFF  }
0x1d: {  	s27 =	simm.s32 $execute0_lowered;
	[smem:$0x3FD2] =	sst s26  }
0x1e: {  	s5 =	sshll.u32 s27, $0x1;
	_ =	strace $0x80000049;
	[dreg:$0x1] =	wrdreg $0xFFFFFFFF  }
0x1f: {  	s28 =	simm.s32 $_size_execute0_lowered;
	s3 =	sadd.s32 s3, s5;
	[dreg:$0x0] =	wrdreg $0x0  }
0x20: {  	s5 =	sshll.u32 s28, $0x1;
	[dreg:$0x2] =	wrdreg s3  }
0x21: {  	[dreg:$0x3] =	wrdreg s5  }
0x22: {  	[dreg:$0x4] =	wrdreg $0xC0  }
0x23: {  	_ =	task [dreg:s7], $0x5FFFF  }
0x24: {  	[dreg:$0x1] =	wrdreg $0xFFFFFFFF  }
0x25: {  	[dreg:$0x0] =	wrdreg $0x60  }
0x26: {  	[dreg:$0x2] =	wrdreg s25  }
0x27: {  	[dreg:$0x3] =	wrdreg s2  }
0x28: {  	[dreg:$0x4] =	wrdreg $0x9  }
0x29: {  	_ =	task.clear_ibuf [dreg:s7], $0x5FFFF;
	_ =	strace $0x90000049  }
0x2a: {  	s29 =	simm.s32 $0x9;
	_ =	strace $0x8000004B  }
0x2b: {  	_ =	swait.ge [sflag:s29], $0x1  }
0x2c: {  	[sflag:s29] =	ssyncadd.s32 $0xFFFFFFFF  }
0x2d: {  	_ =	strace $0x9000004B  }
0x2e: {  	_ =	sfence  }
0x2f: {  	s30 =	sld [smem:$0x0];
	_ =	sdelay $0x2  }
0x30: {  	s31 =	sshll.u32 s1, $0xD;
	s1 =	sshrl.u32 s1, $0x2  }
0x31: {  	s3 =	sand.u32 $0x4000, s31;
	s1 =	sadd.s32 s1, s30  }
0x32: {  	s0 =	sor.u32 s3, s0;
	s1 =	sshll.u32 s1, $0x11  }
0x33: {  	s0 =	sor.u32 s1, s0  }
0x34: {  	s0 =	sadd.s32 $0x8F2B, s0  }
0x35: {  	[sflag:s0] =	ssyncadd.remote.s32 $0x1  }
0x36: {  	_ =	sfence.sel $0xFFFF  }
0x37: {  	[dreg:$0x0] =	wrdreg $0xFFFFFFFF;
	(pc) =	sbr.abs _section_cstart, $3  }
0x38: {  	[dreg:$0x1] =	wrdreg $0xFFFFFFFF  }
0x39: {  	_ =	task.clear_ibuf [dreg:s7], $0x2FFFF;
	_ =	strace $0x9FFFFFFF  }
0x3a: {  	(tm) =	ssettm $0x7FFFFFFF  }
0x3b: {  	_ =	shalt  }
tec
execute0_lowered:
.L_overlay_start_1:
0x0: {  	(tag) =	ssettag $0x1  }
0x1: {  	s0 =	srdreg.scid  }
0x2: {  	s1 =	sshll.u32 s0, $0x4  }
0x3: {  	s6 =	rddreg [dreg:$0x0];
	s0 =	stileid.u32;
	s1 =	sand.u32 $0x10, s1  }
0x4: {  	s3 =	rddreg [dreg:$0x1];
	s1 =	sor.u32 s0, s1  }
0x5: {  	s7 =	simm.s32 $0x1;
	s8 =	simm.s32 $0x2;
	s2 =	sshll.u32 s1, $0x7  }
0x6: {  	s11 =	simm.s32 $0x0;
	s10 =	simm.s32 $0x0;
	s5 =	ssub.s32 $0xC8000, s2  }
.Ltmp0:
0x7: {  	s6 =	sadd.s32 $0x800, s6;
	s4 =	sand.u32 $0xF80, s5;
	(pc) =	sbr.rel .LBB1_1-.Ltmp0, $4  }
0x8: {  	s1 =	rddreg [dreg:$0x2];
	_ =	strace $0x8000004A;
	p0 =	sne.s32 s4, $0x0  }
0x9: {  	s5 =	sshrl.u32 s5, $0xC;
	s4 =	simm.s32 $0x1;
	s7 =	simm.s32 @!p0 $0x0  }
0xa: {  	s9 =	smov.u32 s2;
	[sflag:s4] =	ssyncpa.u1 $0x0;
	s5 =	sadd.s32 s7, s5  }
0xb: {  	[sflag:s8] =	ssyncpa.u1 $0x0;
	s8 =	simm.s32 $0x640000;
	s7 =	sadd.s32 $0x1, s5  }
.LBB1_7:
0xc: {  	s13 =	sadd.s32 $0x1000, s9  }
0xd: {  	p1 =	sgt.s32 s13, $0xC7FFF  }
0xe: {  	s13 =	smov.u32 @p1 s2;
	p1 =	sne.s32 s10, s7  }
.Ltmp1:
0xf: {  	p0 =	slt.u32 s10, $0x2;
	(pc) =	sbr.rel @!p1 .LBB1_8-.Ltmp1, $4  }
0x10: {  	s12 =	simm.s32 @!p0 $0x2  }
0x11: {  	_ =	swait.ge @!p0 [sflag:s12], $0x4000  }
0x12: {  	s14 =	sadd.s32 $0x1, s10;
	s11 =	smov.u32 s9;
	[sflag:s12] =	ssyncset.done @!p0 $0x0  }
0x13: {  	s10 =	smov.u32 s14;
	s9 =	smov.u32 s13;
	[sflag:s12] =	ssyncadd.s32 @!p0 $0xFFFFC000  }
.LBB1_1:
0x14: {  	p0 =	sge.u32 s10, s5  }
0x15: {  	s31 =	sadd.s32 $0xFFFFFFFF, s10;
	s12 =	sxor.u32 @!p0 $0xFFFFFFFF, s10  }
0x16: {  	s13 =	sshll.u32 @!p0 s9, $0x5;
	s14 =	simm.s32 @!p0 $0x40;
	s12 =	sshll.u32 @!p0 s12, $0xE  }
0x17: {  	s15 =	simm.s32 @!p0 $0x80;
	s13 =	sadd.s32 @!p0 s6, s13;
	s12 =	sand.u32 @!p0 $0x4000, s12  }
0x18: {  	[tilespmem:s12], [sflag:$0x1] =	stream.strided.gather @!p0 [hbm4b:s13+s14], $0x4000, s15, s14, $0x38;
	[tilespmem:$0x10100] =	vst v63  }
0x19: {  	p0 =	sge.u32 s31, s5  }
.Ltmp2:
0x1a: {  	_ = 	snop;
	(pc) =	sbr.rel @p0 .LBB1_7-.Ltmp2, $1  }
0x1b: {  	_ =	sdelay $0x3  }
0x1c: {  	s12 =	sand.u32 $0x1, s10  }
0x1d: {  	_ =	swait.ge [sflag:s4], $0x4000;
	s13 =	smul.u32 $0x10200, s12  }
0x1e: {  	[sflag:s4] =	ssyncset.done $0x0  }
0x1f: {  	[sflag:s4] =	ssyncadd.s32 $0xFFFFC000;
	s14 =	sshrl.u32 s13, $0x2  }
0x20: {  	s13 =	sshll.u32 s12, $0xE;
	s12 =	sor.u32 $0x8000, s14;
	s14 =	simm.s32 $0x0  }
.LBB1_3:
0x21: {  	s15 =	sshll.u32 s14, $0x7  }
0x22: {  	s15 =	sand.u32 $0x3FFFFF80, s15  }
0x23: {  	s15 =	sadd.s32 s15, s13  }
0x24: {  	v0 =	vmov s15;
	_ =	sdelay $0x1  }
0x25: {  	p0 =	por $0x1, $0x1;
	s15 =	simm.s32 $0x0  }
.LBB1_4:
0x26: {  	s16 =	sshll.u32 s15, $0x6  }
0x27: {  	s16 =	sand.u32 $0x3FFFFFC0, s16  }
0x28: {  	s31 =	smul.u32 $0x8100, s15;
	v1 =	vld.idx.msk [tilespmem:v0+s16+$0x0 ss:$0x1], $0xffff  }
0x29: {  	v2 =	vld.idx.msk [tilespmem:v0+s16+$0x10 ss:$0x1], $0xffff  }
0x2a: {  	s15 =	sshra.s32 s31, $0x2;
	v3 =	vld.idx.msk [tilespmem:v0+s16+$0x20 ss:$0x1], $0xffff  }
0x2b: {  	p1 =	por p0, p0;
	v4 =	vld.idx.msk [tilespmem:v0+s16+$0x30 ss:$0x1], $0xffff;
	s15 =	sadd.s32 s15, s12  }
.Ltmp3:
0x2c: {  	s15 =	sadd.s32 s14, s15;
	(pc) =	sbr.rel @p1 .LBB1_4-.Ltmp3, $4  }
0x2d: {  	[tilespmem:s15+$0x0 ss:$0x81] =	vst.msk $0xffff, v1  }
0x2e: {  	[tilespmem:s15+$0x810 ss:$0x81] =	vst.msk $0xffff, v2  }
0x2f: {  	[tilespmem:s15+$0x1020 ss:$0x81] =	vst.msk $0xffff, v3  }
0x30: {  	p0 =	por $0x0, $0x0;
	[tilespmem:s15+$0x1830 ss:$0x81] =	vst.msk $0xffff, v4;
	s15 =	simm.s32 $0x1  }
0x31: {  	s14 =	sadd.s32 $0x1, s14  }
0x32: {  	p0 =	sne.s32 s14, $0x80  }
.Ltmp4:
0x33: {  	_ = 	snop;
	(pc) =	sbr.rel @p0 .LBB1_3-.Ltmp4, $1  }
0x34: {  	_ =	sdelay $0x3  }
0x35: {  	s13 =	sshll.u32 s11, $0x3  }
0x36: {  	s30 =	sand.u32 $0x7F, s11;
	s14 =	sand.u32 $0xFFFFFC00, s13  }
0x37: {  	s13 =	smulhi.u32 $0x51EB851F, s13;
	s11 =	sor.u32 s30, s14  }
0x38: {  	s14 =	smulhi.u32 $0x51EB851F, s11;
	_ =	sdelay $0x1  }
0x39: {  	s13 =	sshrl.u32 s13, $0x12;
	s14 =	sshrl.u32 s14, $0x12  }
0x3a: {  	s13 =	sand.u32 $0x3F, s13;
	s14 =	smul.u32 $0xC8000, s14  }
0x3b: {  	s13 =	smul.u32 $0x19000, s13  }
.Ltmp5:
0x3c: {  	s11 =	ssub.s32 s11, s14;
	(pc) =	sbr.rel .LBB1_7-.Ltmp5, $4  }
0x3d: {  	s14 =	sand.u32 $0x7, s11  }
0x3e: {  	s13 =	sadd.s32 s3, s13;
	s11 =	sshrl.u32 s11, $0x3;
	s14 =	sshll.u32 s14, $0x12  }
0x3f: {  	s11 =	sadd.s32 s11, s13;
	s31 =	sor.u32 $0x400, s14  }
0x40: {  	[hbm4b:s11+s31] =	stream.strided.scatter [tilespmem:s12], [sflag:$0x2], $0x4000, s8, s31, $0x20;
	[tilespmem:$0x10100] =	vst v63  }
.LBB1_8:
0x41: {  	_ =	sfence.sel $0x180000  }
0x42: {  	s2 =	simm.s32 $0x1;
	[bflag:$0x0] =	sbarrier.arrive $0xFFFF  }
0x43: {  	s31 =	simm.s32 $0x2;
	[sflag:s2] =	ssyncpa.u1 $0x1  }
0x44: {  	[sflag:s31] =	ssyncpa.u1 $0x1  }
0x45: {  	p0 =	sne.s32 s0, $0x0;
	_ =	strace $0x9000004A  }
0x46: {  	s0 =	sadd.s32 @!p0 $0x100000, s1;
	[bflag:$0x2] =	sbarrier.arrive $0xFFFF  }
0x47: {  	[sflag:s0] =	ssyncadd.tile.s32 @!p0 $0x1;
	_ =	shalt  }
.Lfunc_end1:
_tile_overlayer_lowered:
.L_overlay_start_2:
0x48: {  	(tag) =	ssettag $0x2  }
0x49: {  	s0 =	rddreg [dreg:$0x0];
	s2 =	stileid.u32  }
0x4a: {  	s1 =	rddreg [dreg:$0x1];
	p0 =	sne.s32 s2, $0x0  }
0x4b: {  	s3 =	rddreg [dreg:$0x2];
	[bflag:$0x3] =	sbarrier.arrive $0xFFFF;
	s2 =	simm.s32 @!p0 $0x1C01  }
0x4c: {  	[timem:s3], [sflag:s2] =	dma.local @!p0 [hbm:s0], s1  }
0x4d: {  	s0 =	simm.s32 @!p0 $0x1  }
0x4e: {  	_ =	swait.ge @!p0 [sflag:s0], s1  }
0x4f: {  	s1 =	ssub.s32 @!p0 $0x0, s1;
	[sflag:s0] =	ssyncset.done @!p0 $0x0  }
0x50: {  	[sflag:s0] =	ssyncadd.s32 @!p0 s1  }
0x51: {  	[bflag:$0x3] =	sbarrier.arrive $0xFFFF  }
0x52: {  	_ =	shalt  }

</sc_bundles>
